<compile_context>
chip_gen: v7x
topology: tpu7x:2x2x1
jax: 0.10.2.dev20260603
libtpu: 0.0.44.dev20260713+nightly
codegen_flags: <defaults>
</compile_context>

<pallas_src>
import functools

import jax
import jax.numpy as jnp
from jax import lax
from jax.experimental import pallas as pl
from jax.experimental.pallas import tpu as pltpu
from jax.experimental.pallas import tpu_sc as plsc

N, D, E, F, S, K = 2048, 1024, 16, 512, 2, 2
FS = F * S
T = 256
NT = (N * K) // T + E
P = NT * T
TB = 256
NC, NS = 2, 16
NW = NC * NS
CH = 64

_NT_DIMS = (((1,), (1,)), ((), ()))


def _silu(v):
    return v * (1.0 / (1.0 + jnp.exp(-v)))


def _route_kernel(x_ref, wg_ref, pos_ref, w_ref, tile_e_ref, tile_v_ref):
    x = x_ref[...]
    wg = wg_ref[...]
    logits = lax.dot_general(x, wg, _NT_DIMS,
                             preferred_element_type=jnp.float32)
    m = jnp.max(logits, axis=1, keepdims=True)
    ex = jnp.exp(logits - m)
    probs = ex / jnp.sum(ex, axis=1, keepdims=True)

    eidx = lax.broadcasted_iota(jnp.int32, (N, E), 1)
    p1 = jnp.max(probs, axis=1, keepdims=True)
    e1 = jnp.min(jnp.where(probs == p1, eidx, E), axis=1, keepdims=True)
    oh1 = eidx == e1
    probs_m = jnp.where(oh1, -1.0, probs)
    p2 = jnp.max(probs_m, axis=1, keepdims=True)
    e2 = jnp.min(jnp.where(probs_m == p2, eidx, E), axis=1, keepdims=True)
    oh2 = eidx == e2
    wsum = p1 + p2
    w_ref[...] = jnp.concatenate([p1 / wsum, p2 / wsum], axis=1)

    c = (oh1 | oh2).astype(jnp.bfloat16)
    cn = 256
    tril = (lax.broadcasted_iota(jnp.int32, (cn, cn), 0)
            >= lax.broadcasted_iota(jnp.int32, (cn, cn), 1)).astype(jnp.bfloat16)
    parts = []
    acc = jnp.zeros((1, E), jnp.float32)
    for ci in range(N // cn):
        sc_ = lax.dot_general(tril, c[ci * cn:(ci + 1) * cn, :],
                              (((1,), (0,)), ((), ())),
                              preferred_element_type=jnp.float32) + acc
        parts.append(sc_)
        acc = sc_[cn - 1:cn, :]
    s_inc = jnp.concatenate(parts, axis=0)
    counts = acc
    tiles_pe = jnp.ceil(counts * (1.0 / T))
    excl = (lax.broadcasted_iota(jnp.int32, (E, E), 0)
            < lax.broadcasted_iota(jnp.int32, (E, E), 1)).astype(jnp.float32)
    tile_start = lax.dot_general(tiles_pe, excl, (((1,), (0,)), ((), ())),
                                 preferred_element_type=jnp.float32)
    total_tiles = jnp.sum(tiles_pe, axis=1, keepdims=True)
    slot_off = tile_start * float(T)

    rank1 = jnp.sum(jnp.where(oh1, s_inc, 0.0), axis=1, keepdims=True) - 1.0
    rank2 = jnp.sum(jnp.where(oh2, s_inc, 0.0), axis=1, keepdims=True) - 1.0
    off_b = jnp.broadcast_to(slot_off, (N, E))
    off1 = jnp.sum(jnp.where(oh1, off_b, 0.0), axis=1, keepdims=True)
    off2 = jnp.sum(jnp.where(oh2, off_b, 0.0), axis=1, keepdims=True)
    pos = jnp.concatenate([jnp.transpose(off1 + rank1),
                           jnp.transpose(off2 + rank2)], axis=1)
    pos_ref[...] = pos.astype(jnp.int32)

    ends = jnp.transpose(tile_start + tiles_pe)
    gi = lax.broadcasted_iota(jnp.int32, (E, NT), 1).astype(jnp.float32)
    g2 = jnp.minimum(gi, total_tiles[0, 0] - 1.0)
    tile_e = jnp.sum((ends <= g2).astype(jnp.float32), axis=0, keepdims=True)
    tile_e_ref[...] = tile_e.astype(jnp.int32)
    tile_v = (lax.broadcasted_iota(jnp.int32, (1, NT), 1).astype(jnp.float32)
              < total_tiles[0, 0])
    tile_v_ref[...] = tile_v.astype(jnp.int32)


_route = pl.pallas_call(
    _route_kernel,
    out_shape=[
        jax.ShapeDtypeStruct((1, K * N), jnp.int32),
        jax.ShapeDtypeStruct((N, K), jnp.float32),
        jax.ShapeDtypeStruct((1, NT), jnp.int32),
        jax.ShapeDtypeStruct((1, NT), jnp.int32),
    ],
)


def _sc_scatter_x(x, pos_flat):
    n_per_w = N // NW
    nch = n_per_w // CH
    mesh = plsc.VectorSubcoreMesh(core_axis_name="c", subcore_axis_name="s")

    @functools.partial(
        pl.kernel,
        mesh=mesh,
        out_type=jax.ShapeDtypeStruct((P, D), jnp.float32),
        scratch_types=[
            pltpu.VMEM((CH,), jnp.int32),
            pltpu.VMEM((CH,), jnp.int32),
            pltpu.VMEM((CH, D), jnp.float32),
            pltpu.SemaphoreType.DMA,
        ],
    )
    def scatter(x_hbm, pos_hbm, out_hbm, i0_v, i1_v, rows_v, sem):
        wid = lax.axis_index("s") * NC + lax.axis_index("c")
        base = wid * n_per_w
        for ci in range(nch):
            off = base + ci * CH
            pltpu.sync_copy(pos_hbm.at[0, pl.ds(off, CH)], i0_v)
            pltpu.sync_copy(pos_hbm.at[0, pl.ds(N + off, CH)], i1_v)
            pltpu.sync_copy(x_hbm.at[pl.ds(off, CH)], rows_v)
            pltpu.async_copy(rows_v, out_hbm.at[i0_v], sem).wait()
            pltpu.async_copy(rows_v, out_hbm.at[i1_v], sem).wait()

    return scatter(x, pos_flat)


def _sc_gather_rows(table, idx):
    b = idx.shape[1]
    b_per_w = b // NW
    ch = min(b_per_w, 64)
    nch = b_per_w // ch
    mesh = plsc.VectorSubcoreMesh(core_axis_name="c", subcore_axis_name="s")

    @functools.partial(
        pl.kernel,
        mesh=mesh,
        out_type=jax.ShapeDtypeStruct((b, D), jnp.float32),
        scratch_types=[
            pltpu.VMEM((ch,), jnp.int32),
            pltpu.VMEM((ch, D), jnp.float32),
            pltpu.SemaphoreType.DMA,
        ],
    )
    def gather(table_hbm, idx_hbm, out_hbm, idx_v, rows_v, sem):
        wid = lax.axis_index("s") * NC + lax.axis_index("c")
        base = wid * b_per_w
        for ci in range(nch):
            off = base + ci * ch
            pltpu.sync_copy(idx_hbm.at[0, pl.ds(off, ch)], idx_v)
            pltpu.async_copy(table_hbm.at[idx_v], rows_v, sem).wait()
            pltpu.sync_copy(rows_v, out_hbm.at[pl.ds(off, ch)])

    return gather(table, idx)


def _expert_kernel(tile_e_s, tile_v_s, xg_ref, w1_ref, w2_ref, y_ref):
    g = pl.program_id(0)

    @pl.when(tile_v_s[0, g] != 0)
    def _():
        xgb = xg_ref[...].astype(jnp.bfloat16)
        h = _silu(lax.dot_general(xgb, w1_ref[0].astype(jnp.bfloat16),
                                  _NT_DIMS, preferred_element_type=jnp.float32))
        y = lax.dot_general(h.astype(jnp.bfloat16),
                            w2_ref[0].astype(jnp.bfloat16), _NT_DIMS,
                            preferred_element_type=jnp.float32)
        y_ref[...] = y


_experts = pl.pallas_call(
    _expert_kernel,
    grid_spec=pltpu.PrefetchScalarGridSpec(
        num_scalar_prefetch=2,
        grid=(NT,),
        in_specs=[
            pl.BlockSpec((T, D), lambda g, te, tv: (g, 0)),
            pl.BlockSpec((1, F, D), lambda g, te, tv: (te[0, g], 0, 0)),
            pl.BlockSpec((1, D, F), lambda g, te, tv: (te[0, g], 0, 0)),
        ],
        out_specs=pl.BlockSpec((T, D), lambda g, te, tv: (g, 0)),
    ),
    out_shape=jax.ShapeDtypeStruct((P, D), jnp.float32),
)


def _shared_kernel(x_ref, ws1_ref, ws2_ref, sh_ref):
    xb = x_ref[...].astype(jnp.bfloat16)
    h = _silu(lax.dot_general(xb, ws1_ref[...].astype(jnp.bfloat16), _NT_DIMS,
                              preferred_element_type=jnp.float32))
    sh_ref[...] = lax.dot_general(h.astype(jnp.bfloat16),
                                  ws2_ref[...].astype(jnp.bfloat16), _NT_DIMS,
                                  preferred_element_type=jnp.float32)


_shared = pl.pallas_call(
    _shared_kernel,
    grid=(N // TB,),
    in_specs=[
        pl.BlockSpec((TB, D), lambda i: (i, 0)),
        pl.BlockSpec((FS, D), lambda i: (0, 0)),
        pl.BlockSpec((D, FS), lambda i: (0, 0)),
    ],
    out_specs=pl.BlockSpec((TB, D), lambda i: (i, 0)),
    out_shape=jax.ShapeDtypeStruct((N, D), jnp.float32),
)


def _combine_kernel(sh_ref, yp_ref, w_ref, o_ref):
    o_ref[...] = (sh_ref[...] + yp_ref[0] * w_ref[:, 0:1]
                  + yp_ref[1] * w_ref[:, 1:2])


_combine = pl.pallas_call(
    _combine_kernel,
    grid=(N // TB,),
    in_specs=[
        pl.BlockSpec((TB, D), lambda i: (i, 0)),
        pl.BlockSpec((K, TB, D), lambda i: (0, i, 0)),
        pl.BlockSpec((TB, K), lambda i: (i, 0)),
    ],
    out_specs=pl.BlockSpec((TB, D), lambda i: (i, 0)),
    out_shape=jax.ShapeDtypeStruct((N, D), jnp.float32),
)


def kernel(x, W1, W2, Ws1, Ws2, Wg):
    pos, w_pair, tile_e, tile_v = _route(x, Wg)
    xg = _sc_scatter_x(x, pos)
    sh = _shared(x, Ws1, Ws2)
    y_sorted = _experts(tile_e, tile_v, xg, W1, W2)
    ypair = _sc_gather_rows(y_sorted, pos)
    return _combine(sh, ypair.reshape(K, N, D), w_pair)

# --- scband reference (transcript-rebuilt; emitter-appended) ---
"""Pipeline reference for scband-hybrid-mo-e-12120397709901 (READ-ONLY COPY).

The authoritative reference and input builder live on the scoring server;
editing this copy changes nothing except your own understanding.
"""

import jax, jax.numpy as jnp
import numpy as np

N, D, E, F, S, K = 2048, 1024, 16, 512, 2, 2

def setup_inputs(seed: int = 0) -> dict:
    key = jax.random.key(seed)
    ks = jax.random.split(key, 6)
    x = jax.random.normal(ks[0], (N, D), dtype=jnp.float32)
    W1 = jax.random.normal(ks[1], (E, F, D), dtype=jnp.float32) * 0.02
    W2 = jax.random.normal(ks[2], (E, D, F), dtype=jnp.float32) * 0.02
    Ws1 = jax.random.normal(ks[3], (F * S, D), dtype=jnp.float32) * 0.02
    Ws2 = jax.random.normal(ks[4], (D, F * S), dtype=jnp.float32) * 0.02
    Wg = jax.random.normal(ks[5], (E, D), dtype=jnp.float32) * 0.02
    return {"x": x, "W1": W1, "W2": W2, "Ws1": Ws1, "Ws2": Ws2, "Wg": Wg}

def reference(x, W1, W2, Ws1, Ws2, Wg):
    # shared expert: Linear -> SiLU -> Linear
    shared_out = jax.nn.silu(x @ Ws1.T) @ Ws2.T
    # gating
    gate_logits = x @ Wg.T
    probs = jax.nn.softmax(gate_logits, axis=-1)
    weights, indices = jax.lax.top_k(probs, K)
    weights = weights / jnp.sum(weights, axis=-1, keepdims=True)
    moe_out = jnp.zeros_like(x)
    for i in range(E):
        match = (indices == i)  # [N, K]; topk indices are unique per row
        w_i = jnp.sum(weights * match.astype(weights.dtype), axis=-1)  # [N], 0 for unselected tokens
        expert_out = jax.nn.silu(x @ W1[i].T) @ W2[i].T
        moe_out = moe_out + expert_out * w_i[:, None]
    return shared_out + moe_out

if __name__ == "__main__":
    import jax
    _d = setup_inputs()
    print(jax.jit(kernel)(*tuple(_d.values())))

</pallas_src>

<mosaic_0001>
#map = affine_map<(d0, d1) -> (0, 0)>
module attributes {stable_mosaic.version = 14 : i64} {
  func.func @gather(%arg0: i32, %arg1: i32, %arg2: memref<8192x1024xf32, #tpu.memory_space<hbm>>, %arg3: memref<1x4096xi32, #tpu.memory_space<hbm>>, %arg4: memref<4096x1024xf32, #tpu.memory_space<hbm>>, %arg5: memref<64xi32, #tpu.memory_space<vmem>>, %arg6: memref<64x1024xf32, #tpu.memory_space<vmem>>, %arg7: memref<!tpu.dma_semaphore, #tpu.memory_space<semaphore_mem>>) attributes {dimension_semantics = [#tpu.dimension_semantics<core_parallel>, #tpu.dimension_semantics<subcore_parallel>], iteration_bounds = array<i64: 2, 16>, scalar_prefetch = 0 : i64, scratch_operands = 3 : i64, tpu.core_type = #tpu.core_type<sc_vector_subcore>, window_params = [{transform_indices = #map}, {transform_indices = #map}, {transform_indices = #map}]} {
    %mul3A = arith.constant 2 : i32
    %mul3A_0 = arith.muli %arg1, %mul3A : i32
    %add3A = arith.addi %mul3A_0, %arg0 : i32
    %mul3A_1 = arith.constant 128 : i32
    %mul3A_2 = arith.muli %add3A, %mul3A_1 : i32
    %add3A_3 = arith.constant 0 : i32
    %add3A_4 = arith.addi %mul3A_2, %add3A_3 : i32
    %run_scoped3A = arith.constant 0 : i32
    "tpu.region"() ({
      %run_scoped3A_18 = tpu.sem_alloc : memref<!tpu.dma_semaphore, #tpu.memory_space<semaphore_mem>>
      %dma_start3A_19 = tpu.memref_slice %arg3[%run_scoped3A, %add3A_4] : memref<1x4096xi32, #tpu.memory_space<hbm>> -> memref<1x64xi32, #tpu.memory_space<hbm>>
      %dma_start3A_20 = tpu.memref_squeeze %dma_start3A_19 : memref<1x64xi32, #tpu.memory_space<hbm>> -> memref<64xi32, #tpu.memory_space<hbm>>
      %dma_start3A_21 = tpu.memref_slice %arg3[%run_scoped3A, %add3A_4] : memref<1x4096xi32, #tpu.memory_space<hbm>> -> memref<1x64xi32, #tpu.memory_space<hbm>>
      %dma_start3A_22 = tpu.memref_squeeze %dma_start3A_21 : memref<1x64xi32, #tpu.memory_space<hbm>> -> memref<64xi32, #tpu.memory_space<hbm>>
      tpu.enqueue_dma source(%dma_start3A_22 : memref<64xi32, #tpu.memory_space<hbm>>) target(%arg5 : memref<64xi32, #tpu.memory_space<vmem>>) target_semaphore(%run_scoped3A_18 : memref<!tpu.dma_semaphore, #tpu.memory_space<semaphore_mem>>)
      %dma_wait3A_23 = tpu.memref_slice %arg3[%run_scoped3A, %add3A_4] : memref<1x4096xi32, #tpu.memory_space<hbm>> -> memref<1x64xi32, #tpu.memory_space<hbm>>
      %dma_wait3A_24 = tpu.memref_squeeze %dma_wait3A_23 : memref<1x64xi32, #tpu.memory_space<hbm>> -> memref<64xi32, #tpu.memory_space<hbm>>
      %dma_wait3A_25 = tpu.memref_slice %arg3[%run_scoped3A, %add3A_4] : memref<1x4096xi32, #tpu.memory_space<hbm>> -> memref<1x64xi32, #tpu.memory_space<hbm>>
      %dma_wait3A_26 = tpu.memref_squeeze %dma_wait3A_25 : memref<1x64xi32, #tpu.memory_space<hbm>> -> memref<64xi32, #tpu.memory_space<hbm>>
      tpu.wait_dma2 semaphore(%run_scoped3A_18 : memref<!tpu.dma_semaphore, #tpu.memory_space<semaphore_mem>>) src(%dma_wait3A_26 : memref<64xi32, #tpu.memory_space<hbm>>) dst(%arg5 : memref<64xi32, #tpu.memory_space<vmem>>)
      tpu.yield
    }) : () -> ()
    %dma_start3A = arith.constant 0 : i32
    %dma_start3A_5 = arith.constant 0 : i32
    %dma_start3A_6 = tpu.memref_slice %arg2[%dma_start3A, %dma_start3A_5] : memref<8192x1024xf32, #tpu.memory_space<hbm>> -> memref<8192x1024xf32, #tpu.memory_space<hbm>>
    tpu.enqueue_indirect_dma source(%dma_start3A_6 : memref<8192x1024xf32, #tpu.memory_space<hbm>>) target(%arg6 : memref<64x1024xf32, #tpu.memory_space<vmem>>) offsets(%arg5 : memref<64xi32, #tpu.memory_space<vmem>>) semaphore(%arg7 : memref<!tpu.dma_semaphore, #tpu.memory_space<semaphore_mem>>)
    %dma_wait3A = arith.constant 0 : i32
    %dma_wait3A_7 = arith.constant 0 : i32
    %dma_wait3A_8 = tpu.memref_slice %arg2[%dma_wait3A, %dma_wait3A_7] : memref<8192x1024xf32, #tpu.memory_space<hbm>> -> memref<8192x1024xf32, #tpu.memory_space<hbm>>
    tpu.wait_indirect_dma semaphore(%arg7 : memref<!tpu.dma_semaphore, #tpu.memory_space<semaphore_mem>>) src(%dma_wait3A_8 : memref<8192x1024xf32, #tpu.memory_space<hbm>>) dst(%arg6 : memref<64x1024xf32, #tpu.memory_space<vmem>>)
    "tpu.region"() ({
      %run_scoped3A_18 = tpu.sem_alloc : memref<!tpu.dma_semaphore, #tpu.memory_space<semaphore_mem>>
      %dma_start3A_19 = arith.constant 0 : i32
      %dma_start3A_20 = tpu.memref_slice %arg4[%add3A_4, %dma_start3A_19] : memref<4096x1024xf32, #tpu.memory_space<hbm>> -> memref<64x1024xf32, #tpu.memory_space<hbm>>
      %dma_start3A_21 = arith.constant 0 : i32
      %dma_start3A_22 = tpu.memref_slice %arg4[%add3A_4, %dma_start3A_21] : memref<4096x1024xf32, #tpu.memory_space<hbm>> -> memref<64x1024xf32, #tpu.memory_space<hbm>>
      tpu.enqueue_dma source(%arg6 : memref<64x1024xf32, #tpu.memory_space<vmem>>) target(%dma_start3A_22 : memref<64x1024xf32, #tpu.memory_space<hbm>>) target_semaphore(%run_scoped3A_18 : memref<!tpu.dma_semaphore, #tpu.memory_space<semaphore_mem>>)
      %dma_wait3A_23 = arith.constant 0 : i32
      %dma_wait3A_24 = tpu.memref_slice %arg4[%add3A_4, %dma_wait3A_23] : memref<4096x1024xf32, #tpu.memory_space<hbm>> -> memref<64x1024xf32, #tpu.memory_space<hbm>>
      %dma_wait3A_25 = arith.constant 0 : i32
      %dma_wait3A_26 = tpu.memref_slice %arg4[%add3A_4, %dma_wait3A_25] : memref<4096x1024xf32, #tpu.memory_space<hbm>> -> memref<64x1024xf32, #tpu.memory_space<hbm>>
      tpu.wait_dma2 semaphore(%run_scoped3A_18 : memref<!tpu.dma_semaphore, #tpu.memory_space<semaphore_mem>>) src(%arg6 : memref<64x1024xf32, #tpu.memory_space<vmem>>) dst(%dma_wait3A_26 : memref<64x1024xf32, #tpu.memory_space<hbm>>)
      tpu.yield
    }) : () -> ()
    %add3A_9 = arith.constant 64 : i32
    %add3A_10 = arith.addi %mul3A_2, %add3A_9 : i32
    %run_scoped3A_11 = arith.constant 0 : i32
    "tpu.region"() ({
      %run_scoped3A_18 = tpu.sem_alloc : memref<!tpu.dma_semaphore, #tpu.memory_space<semaphore_mem>>
      %dma_start3A_19 = tpu.memref_slice %arg3[%run_scoped3A_11, %add3A_10] : memref<1x4096xi32, #tpu.memory_space<hbm>> -> memref<1x64xi32, #tpu.memory_space<hbm>>
      %dma_start3A_20 = tpu.memref_squeeze %dma_start3A_19 : memref<1x64xi32, #tpu.memory_space<hbm>> -> memref<64xi32, #tpu.memory_space<hbm>>
      %dma_start3A_21 = tpu.memref_slice %arg3[%run_scoped3A_11, %add3A_10] : memref<1x4096xi32, #tpu.memory_space<hbm>> -> memref<1x64xi32, #tpu.memory_space<hbm>>
      %dma_start3A_22 = tpu.memref_squeeze %dma_start3A_21 : memref<1x64xi32, #tpu.memory_space<hbm>> -> memref<64xi32, #tpu.memory_space<hbm>>
      tpu.enqueue_dma source(%dma_start3A_22 : memref<64xi32, #tpu.memory_space<hbm>>) target(%arg5 : memref<64xi32, #tpu.memory_space<vmem>>) target_semaphore(%run_scoped3A_18 : memref<!tpu.dma_semaphore, #tpu.memory_space<semaphore_mem>>)
      %dma_wait3A_23 = tpu.memref_slice %arg3[%run_scoped3A_11, %add3A_10] : memref<1x4096xi32, #tpu.memory_space<hbm>> -> memref<1x64xi32, #tpu.memory_space<hbm>>
      %dma_wait3A_24 = tpu.memref_squeeze %dma_wait3A_23 : memref<1x64xi32, #tpu.memory_space<hbm>> -> memref<64xi32, #tpu.memory_space<hbm>>
      %dma_wait3A_25 = tpu.memref_slice %arg3[%run_scoped3A_11, %add3A_10] : memref<1x4096xi32, #tpu.memory_space<hbm>> -> memref<1x64xi32, #tpu.memory_space<hbm>>
      %dma_wait3A_26 = tpu.memref_squeeze %dma_wait3A_25 : memref<1x64xi32, #tpu.memory_space<hbm>> -> memref<64xi32, #tpu.memory_space<hbm>>
      tpu.wait_dma2 semaphore(%run_scoped3A_18 : memref<!tpu.dma_semaphore, #tpu.memory_space<semaphore_mem>>) src(%dma_wait3A_26 : memref<64xi32, #tpu.memory_space<hbm>>) dst(%arg5 : memref<64xi32, #tpu.memory_space<vmem>>)
      tpu.yield
    }) : () -> ()
    %dma_start3A_12 = arith.constant 0 : i32
    %dma_start3A_13 = arith.constant 0 : i32
    %dma_start3A_14 = tpu.memref_slice %arg2[%dma_start3A_12, %dma_start3A_13] : memref<8192x1024xf32, #tpu.memory_space<hbm>> -> memref<8192x1024xf32, #tpu.memory_space<hbm>>
    tpu.enqueue_indirect_dma source(%dma_start3A_14 : memref<8192x1024xf32, #tpu.memory_space<hbm>>) target(%arg6 : memref<64x1024xf32, #tpu.memory_space<vmem>>) offsets(%arg5 : memref<64xi32, #tpu.memory_space<vmem>>) semaphore(%arg7 : memref<!tpu.dma_semaphore, #tpu.memory_space<semaphore_mem>>)
    %dma_wait3A_15 = arith.constant 0 : i32
    %dma_wait3A_16 = arith.constant 0 : i32
    %dma_wait3A_17 = tpu.memref_slice %arg2[%dma_wait3A_15, %dma_wait3A_16] : memref<8192x1024xf32, #tpu.memory_space<hbm>> -> memref<8192x1024xf32, #tpu.memory_space<hbm>>
    tpu.wait_indirect_dma semaphore(%arg7 : memref<!tpu.dma_semaphore, #tpu.memory_space<semaphore_mem>>) src(%dma_wait3A_17 : memref<8192x1024xf32, #tpu.memory_space<hbm>>) dst(%arg6 : memref<64x1024xf32, #tpu.memory_space<vmem>>)
    "tpu.region"() ({
      %run_scoped3A_18 = tpu.sem_alloc : memref<!tpu.dma_semaphore, #tpu.memory_space<semaphore_mem>>
      %dma_start3A_19 = arith.constant 0 : i32
      %dma_start3A_20 = tpu.memref_slice %arg4[%add3A_10, %dma_start3A_19] : memref<4096x1024xf32, #tpu.memory_space<hbm>> -> memref<64x1024xf32, #tpu.memory_space<hbm>>
      %dma_start3A_21 = arith.constant 0 : i32
      %dma_start3A_22 = tpu.memref_slice %arg4[%add3A_10, %dma_start3A_21] : memref<4096x1024xf32, #tpu.memory_space<hbm>> -> memref<64x1024xf32, #tpu.memory_space<hbm>>
      tpu.enqueue_dma source(%arg6 : memref<64x1024xf32, #tpu.memory_space<vmem>>) target(%dma_start3A_22 : memref<64x1024xf32, #tpu.memory_space<hbm>>) target_semaphore(%run_scoped3A_18 : memref<!tpu.dma_semaphore, #tpu.memory_space<semaphore_mem>>)
      %dma_wait3A_23 = arith.constant 0 : i32
      %dma_wait3A_24 = tpu.memref_slice %arg4[%add3A_10, %dma_wait3A_23] : memref<4096x1024xf32, #tpu.memory_space<hbm>> -> memref<64x1024xf32, #tpu.memory_space<hbm>>
      %dma_wait3A_25 = arith.constant 0 : i32
      %dma_wait3A_26 = tpu.memref_slice %arg4[%add3A_10, %dma_wait3A_25] : memref<4096x1024xf32, #tpu.memory_space<hbm>> -> memref<64x1024xf32, #tpu.memory_space<hbm>>
      tpu.wait_dma2 semaphore(%run_scoped3A_18 : memref<!tpu.dma_semaphore, #tpu.memory_space<semaphore_mem>>) src(%arg6 : memref<64x1024xf32, #tpu.memory_space<vmem>>) dst(%dma_wait3A_26 : memref<64x1024xf32, #tpu.memory_space<hbm>>)
      tpu.yield
    }) : () -> ()
    return
  }
}

#map = affine_map<(d0, d1) -> (0, 0)>
module attributes {stable_mosaic.version = 14 : i64} {
  func.func @scatter(%arg0: i32, %arg1: i32, %arg2: memref<2048x1024xf32, #tpu.memory_space<hbm>>, %arg3: memref<1x4096xi32, #tpu.memory_space<hbm>>, %arg4: memref<8192x1024xf32, #tpu.memory_space<hbm>>, %arg5: memref<64xi32, #tpu.memory_space<vmem>>, %arg6: memref<64xi32, #tpu.memory_space<vmem>>, %arg7: memref<64x1024xf32, #tpu.memory_space<vmem>>, %arg8: memref<!tpu.dma_semaphore, #tpu.memory_space<semaphore_mem>>) attributes {dimension_semantics = [#tpu.dimension_semantics<core_parallel>, #tpu.dimension_semantics<subcore_parallel>], iteration_bounds = array<i64: 2, 16>, scalar_prefetch = 0 : i64, scratch_operands = 4 : i64, tpu.core_type = #tpu.core_type<sc_vector_subcore>, window_params = [{transform_indices = #map}, {transform_indices = #map}, {transform_indices = #map}]} {
    %mul3A = arith.constant 2 : i32
    %mul3A_0 = arith.muli %arg1, %mul3A : i32
    %add3A = arith.addi %mul3A_0, %arg0 : i32
    %mul3A_1 = arith.constant 64 : i32
    %mul3A_2 = arith.muli %add3A, %mul3A_1 : i32
    %add3A_3 = arith.constant 0 : i32
    %add3A_4 = arith.addi %mul3A_2, %add3A_3 : i32
    %run_scoped3A = arith.constant 0 : i32
    "tpu.region"() ({
      %run_scoped3A_18 = tpu.sem_alloc : memref<!tpu.dma_semaphore, #tpu.memory_space<semaphore_mem>>
      %dma_start3A_19 = tpu.memref_slice %arg3[%run_scoped3A, %add3A_4] : memref<1x4096xi32, #tpu.memory_space<hbm>> -> memref<1x64xi32, #tpu.memory_space<hbm>>
      %dma_start3A_20 = tpu.memref_squeeze %dma_start3A_19 : memref<1x64xi32, #tpu.memory_space<hbm>> -> memref<64xi32, #tpu.memory_space<hbm>>
      %dma_start3A_21 = tpu.memref_slice %arg3[%run_scoped3A, %add3A_4] : memref<1x4096xi32, #tpu.memory_space<hbm>> -> memref<1x64xi32, #tpu.memory_space<hbm>>
      %dma_start3A_22 = tpu.memref_squeeze %dma_start3A_21 : memref<1x64xi32, #tpu.memory_space<hbm>> -> memref<64xi32, #tpu.memory_space<hbm>>
      tpu.enqueue_dma source(%dma_start3A_22 : memref<64xi32, #tpu.memory_space<hbm>>) target(%arg5 : memref<64xi32, #tpu.memory_space<vmem>>) target_semaphore(%run_scoped3A_18 : memref<!tpu.dma_semaphore, #tpu.memory_space<semaphore_mem>>)
      %dma_wait3A_23 = tpu.memref_slice %arg3[%run_scoped3A, %add3A_4] : memref<1x4096xi32, #tpu.memory_space<hbm>> -> memref<1x64xi32, #tpu.memory_space<hbm>>
      %dma_wait3A_24 = tpu.memref_squeeze %dma_wait3A_23 : memref<1x64xi32, #tpu.memory_space<hbm>> -> memref<64xi32, #tpu.memory_space<hbm>>
      %dma_wait3A_25 = tpu.memref_slice %arg3[%run_scoped3A, %add3A_4] : memref<1x4096xi32, #tpu.memory_space<hbm>> -> memref<1x64xi32, #tpu.memory_space<hbm>>
      %dma_wait3A_26 = tpu.memref_squeeze %dma_wait3A_25 : memref<1x64xi32, #tpu.memory_space<hbm>> -> memref<64xi32, #tpu.memory_space<hbm>>
      tpu.wait_dma2 semaphore(%run_scoped3A_18 : memref<!tpu.dma_semaphore, #tpu.memory_space<semaphore_mem>>) src(%dma_wait3A_26 : memref<64xi32, #tpu.memory_space<hbm>>) dst(%arg5 : memref<64xi32, #tpu.memory_space<vmem>>)
      tpu.yield
    }) : () -> ()
    %add3A_5 = arith.constant 2048 : i32
    %add3A_6 = arith.addi %add3A_5, %add3A_4 : i32
    %run_scoped3A_7 = arith.constant 0 : i32
    "tpu.region"() ({
      %run_scoped3A_18 = tpu.sem_alloc : memref<!tpu.dma_semaphore, #tpu.memory_space<semaphore_mem>>
      %dma_start3A_19 = tpu.memref_slice %arg3[%run_scoped3A_7, %add3A_6] : memref<1x4096xi32, #tpu.memory_space<hbm>> -> memref<1x64xi32, #tpu.memory_space<hbm>>
      %dma_start3A_20 = tpu.memref_squeeze %dma_start3A_19 : memref<1x64xi32, #tpu.memory_space<hbm>> -> memref<64xi32, #tpu.memory_space<hbm>>
      %dma_start3A_21 = tpu.memref_slice %arg3[%run_scoped3A_7, %add3A_6] : memref<1x4096xi32, #tpu.memory_space<hbm>> -> memref<1x64xi32, #tpu.memory_space<hbm>>
      %dma_start3A_22 = tpu.memref_squeeze %dma_start3A_21 : memref<1x64xi32, #tpu.memory_space<hbm>> -> memref<64xi32, #tpu.memory_space<hbm>>
      tpu.enqueue_dma source(%dma_start3A_22 : memref<64xi32, #tpu.memory_space<hbm>>) target(%arg6 : memref<64xi32, #tpu.memory_space<vmem>>) target_semaphore(%run_scoped3A_18 : memref<!tpu.dma_semaphore, #tpu.memory_space<semaphore_mem>>)
      %dma_wait3A_23 = tpu.memref_slice %arg3[%run_scoped3A_7, %add3A_6] : memref<1x4096xi32, #tpu.memory_space<hbm>> -> memref<1x64xi32, #tpu.memory_space<hbm>>
      %dma_wait3A_24 = tpu.memref_squeeze %dma_wait3A_23 : memref<1x64xi32, #tpu.memory_space<hbm>> -> memref<64xi32, #tpu.memory_space<hbm>>
      %dma_wait3A_25 = tpu.memref_slice %arg3[%run_scoped3A_7, %add3A_6] : memref<1x4096xi32, #tpu.memory_space<hbm>> -> memref<1x64xi32, #tpu.memory_space<hbm>>
      %dma_wait3A_26 = tpu.memref_squeeze %dma_wait3A_25 : memref<1x64xi32, #tpu.memory_space<hbm>> -> memref<64xi32, #tpu.memory_space<hbm>>
      tpu.wait_dma2 semaphore(%run_scoped3A_18 : memref<!tpu.dma_semaphore, #tpu.memory_space<semaphore_mem>>) src(%dma_wait3A_26 : memref<64xi32, #tpu.memory_space<hbm>>) dst(%arg6 : memref<64xi32, #tpu.memory_space<vmem>>)
      tpu.yield
    }) : () -> ()
    "tpu.region"() ({
      %run_scoped3A_18 = tpu.sem_alloc : memref<!tpu.dma_semaphore, #tpu.memory_space<semaphore_mem>>
      %dma_start3A_19 = arith.constant 0 : i32
      %dma_start3A_20 = tpu.memref_slice %arg2[%add3A_4, %dma_start3A_19] : memref<2048x1024xf32, #tpu.memory_space<hbm>> -> memref<64x1024xf32, #tpu.memory_space<hbm>>
      %dma_start3A_21 = arith.constant 0 : i32
      %dma_start3A_22 = tpu.memref_slice %arg2[%add3A_4, %dma_start3A_21] : memref<2048x1024xf32, #tpu.memory_space<hbm>> -> memref<64x1024xf32, #tpu.memory_space<hbm>>
      tpu.enqueue_dma source(%dma_start3A_22 : memref<64x1024xf32, #tpu.memory_space<hbm>>) target(%arg7 : memref<64x1024xf32, #tpu.memory_space<vmem>>) target_semaphore(%run_scoped3A_18 : memref<!tpu.dma_semaphore, #tpu.memory_space<semaphore_mem>>)
      %dma_wait3A_23 = arith.constant 0 : i32
      %dma_wait3A_24 = tpu.memref_slice %arg2[%add3A_4, %dma_wait3A_23] : memref<2048x1024xf32, #tpu.memory_space<hbm>> -> memref<64x1024xf32, #tpu.memory_space<hbm>>
      %dma_wait3A_25 = arith.constant 0 : i32
      %dma_wait3A_26 = tpu.memref_slice %arg2[%add3A_4, %dma_wait3A_25] : memref<2048x1024xf32, #tpu.memory_space<hbm>> -> memref<64x1024xf32, #tpu.memory_space<hbm>>
      tpu.wait_dma2 semaphore(%run_scoped3A_18 : memref<!tpu.dma_semaphore, #tpu.memory_space<semaphore_mem>>) src(%dma_wait3A_26 : memref<64x1024xf32, #tpu.memory_space<hbm>>) dst(%arg7 : memref<64x1024xf32, #tpu.memory_space<vmem>>)
      tpu.yield
    }) : () -> ()
    %dma_start3A = arith.constant 0 : i32
    %dma_start3A_8 = arith.constant 0 : i32
    %dma_start3A_9 = tpu.memref_slice %arg4[%dma_start3A, %dma_start3A_8] : memref<8192x1024xf32, #tpu.memory_space<hbm>> -> memref<8192x1024xf32, #tpu.memory_space<hbm>>
    tpu.enqueue_indirect_dma source(%arg7 : memref<64x1024xf32, #tpu.memory_space<vmem>>) target(%dma_start3A_9 : memref<8192x1024xf32, #tpu.memory_space<hbm>>) offsets(%arg5 : memref<64xi32, #tpu.memory_space<vmem>>) semaphore(%arg8 : memref<!tpu.dma_semaphore, #tpu.memory_space<semaphore_mem>>)
    %dma_wait3A = arith.constant 0 : i32
    %dma_wait3A_10 = arith.constant 0 : i32
    %dma_wait3A_11 = tpu.memref_slice %arg4[%dma_wait3A, %dma_wait3A_10] : memref<8192x1024xf32, #tpu.memory_space<hbm>> -> memref<8192x1024xf32, #tpu.memory_space<hbm>>
    tpu.wait_indirect_dma semaphore(%arg8 : memref<!tpu.dma_semaphore, #tpu.memory_space<semaphore_mem>>) src(%arg7 : memref<64x1024xf32, #tpu.memory_space<vmem>>) dst(%dma_wait3A_11 : memref<8192x1024xf32, #tpu.memory_space<hbm>>)
    %dma_start3A_12 = arith.constant 0 : i32
    %dma_start3A_13 = arith.constant 0 : i32
    %dma_start3A_14 = tpu.memref_slice %arg4[%dma_start3A_12, %dma_start3A_13] : memref<8192x1024xf32, #tpu.memory_space<hbm>> -> memref<8192x1024xf32, #tpu.memory_space<hbm>>
    tpu.enqueue_indirect_dma source(%arg7 : memref<64x1024xf32, #tpu.memory_space<vmem>>) target(%dma_start3A_14 : memref<8192x1024xf32, #tpu.memory_space<hbm>>) offsets(%arg6 : memref<64xi32, #tpu.memory_space<vmem>>) semaphore(%arg8 : memref<!tpu.dma_semaphore, #tpu.memory_space<semaphore_mem>>)
    %dma_wait3A_15 = arith.constant 0 : i32
    %dma_wait3A_16 = arith.constant 0 : i32
    %dma_wait3A_17 = tpu.memref_slice %arg4[%dma_wait3A_15, %dma_wait3A_16] : memref<8192x1024xf32, #tpu.memory_space<hbm>> -> memref<8192x1024xf32, #tpu.memory_space<hbm>>
    tpu.wait_indirect_dma semaphore(%arg8 : memref<!tpu.dma_semaphore, #tpu.memory_space<semaphore_mem>>) src(%arg7 : memref<64x1024xf32, #tpu.memory_space<vmem>>) dst(%dma_wait3A_17 : memref<8192x1024xf32, #tpu.memory_space<hbm>>)
    return
  }
}

module attributes {stable_mosaic.version = 14 : i64} {
  func.func @_expert_kernel(%arg0: i32, %arg1: memref<1x32xi32, #tpu.memory_space<smem>>, %arg2: memref<1x32xi32, #tpu.memory_space<smem>>, %arg3: memref<256x1024xf32, #tpu.memory_space<vmem>>, %arg4: memref<1x512x1024xf32, #tpu.memory_space<vmem>>, %arg5: memref<1x1024x512xf32, #tpu.memory_space<vmem>>, %arg6: memref<256x1024xf32, #tpu.memory_space<vmem>>) attributes {dimension_semantics = [#tpu.dimension_semantics<arbitrary>], iteration_bounds = array<i64: 32>, scalar_prefetch = 2 : i64, scratch_operands = 0 : i64, tpu.core_type = #tpu.core_type<tc>, window_params = [{transform_indices = @transform_0, window_bounds = array<i64: 256, 1024>}, {transform_indices = @transform_1, window_bounds = array<i64: 1, 512, 1024>}, {transform_indices = @transform_2, window_bounds = array<i64: 1, 1024, 512>}, {transform_indices = @transform_3, window_bounds = array<i64: 256, 1024>}]} {
    %get3A = arith.constant 0 : index
    %get3A_0 = arith.index_cast %arg0 : i32 to index
    %get3A_1 = memref.load %arg2[%get3A, %get3A_0] : memref<1x32xi32, #tpu.memory_space<smem>>
    %ne3A = arith.constant 0 : i32
    %ne3A_2 = arith.cmpi ne, %get3A_1, %ne3A : i32
    %convert_element_type3A = arith.extui %ne3A_2 : i1 to i32
    %cond3A = arith.constant 0 : i32
    %cond3A_3 = arith.cmpi ne, %convert_element_type3A, %cond3A : i32
    scf.if %cond3A_3 {
      %get3A_4 = arith.constant 0 : index
      %get3A_5 = arith.constant 0 : index
      %get3A_6 = vector.load %arg3[%get3A_4, %get3A_5] : memref<256x1024xf32, #tpu.memory_space<vmem>>, vector<256x1024xf32>
      %convert_element_type3A_7 = arith.truncf %get3A_6 : vector<256x1024xf32> to vector<256x1024xbf16>
      %get3A_8 = arith.constant 0 : index
      %get3A_9 = arith.constant 0 : index
      %get3A_10 = arith.constant 0 : index
      %get3A_11 = vector.load %arg4[%get3A_8, %get3A_9, %get3A_10] : memref<1x512x1024xf32, #tpu.memory_space<vmem>>, vector<1x512x1024xf32>
      %get3A_12 = vector.shape_cast %get3A_11 : vector<1x512x1024xf32> to vector<512x1024xf32>
      %convert_element_type3A_13 = arith.truncf %get3A_12 : vector<512x1024xf32> to vector<512x1024xbf16>
      %dot_general3A = arith.constant dense<0.000000e+00> : vector<256x512xf32>
      %dot_general3A_14 = tpu.matmul %convert_element_type3A_7, %convert_element_type3A_13, %dot_general3A {dimension_numbers = #tpu.dot_dimension_numbers<[1], [1], [0], [0], [0, 0, 1, 0], [], []>, transpose_lhs_hint = false} : vector<256x1024xbf16>, vector<512x1024xbf16>, vector<256x512xf32> -> vector<256x512xf32>
      %neg3A = arith.constant 0.000000e+00 : f32
      %neg3A_15 = vector.broadcast %neg3A : f32 to vector<256x512xf32>
      %neg3A_16 = arith.subf %neg3A_15, %dot_general3A_14 : vector<256x512xf32>
      %exp3A = math.exp %neg3A_16 : vector<256x512xf32>
      %add3A = arith.constant 1.000000e+00 : f32
      %add3A_17 = vector.broadcast %add3A : f32 to vector<256x512xf32>
      %add3A_18 = arith.addf %add3A_17, %exp3A : vector<256x512xf32>
      %div3A = arith.constant 1.000000e+00 : f32
      %div3A_19 = vector.broadcast %div3A : f32 to vector<256x512xf32>
      %div3A_20 = arith.divf %div3A_19, %add3A_18 : vector<256x512xf32>
      %mul3A = arith.mulf %dot_general3A_14, %div3A_20 : vector<256x512xf32>
      %convert_element_type3A_21 = arith.truncf %mul3A : vector<256x512xf32> to vector<256x512xbf16>
      %get3A_22 = arith.constant 0 : index
      %get3A_23 = arith.constant 0 : index
      %get3A_24 = arith.constant 0 : index
      %get3A_25 = vector.load %arg5[%get3A_22, %get3A_23, %get3A_24] : memref<1x1024x512xf32, #tpu.memory_space<vmem>>, vector<1x1024x512xf32>
      %get3A_26 = vector.shape_cast %get3A_25 : vector<1x1024x512xf32> to vector<1024x512xf32>
      %convert_element_type3A_27 = arith.truncf %get3A_26 : vector<1024x512xf32> to vector<1024x512xbf16>
      %dot_general3A_28 = arith.constant dense<0.000000e+00> : vector<256x1024xf32>
      %dot_general3A_29 = tpu.matmul %convert_element_type3A_21, %convert_element_type3A_27, %dot_general3A_28 {dimension_numbers = #tpu.dot_dimension_numbers<[1], [1], [0], [0], [0, 0, 1, 0], [], []>, transpose_lhs_hint = false} : vector<256x512xbf16>, vector<1024x512xbf16>, vector<256x1024xf32> -> vector<256x1024xf32>
      %swap3A = arith.constant 0 : index
      %swap3A_30 = arith.constant 0 : index
      %swap3A_31 = vector.load %arg6[%swap3A, %swap3A_30] : memref<256x1024xf32, #tpu.memory_space<vmem>>, vector<256x1024xf32>
      tpu.vector_store %arg6[%swap3A, %swap3A_30], %dot_general3A_29 {strides = array<i32>} : memref<256x1024xf32, #tpu.memory_space<vmem>>, vector<256x1024xf32>,
    } else {
    }
    return
  }
  func.func @transform_0(%arg0: i32, %arg1: memref<1x32xi32, #tpu.memory_space<smem>>, %arg2: memref<1x32xi32, #tpu.memory_space<smem>>) -> (i32, i32) {
    %c0_i32 = arith.constant 0 : i32
    %c0_i32_0 = arith.constant 0 : i32
    return %arg0, %c0_i32 : i32, i32
  }
  func.func @transform_1(%arg0: i32, %arg1: memref<1x32xi32, #tpu.memory_space<smem>>, %arg2: memref<1x32xi32, #tpu.memory_space<smem>>) -> (i32, i32, i32) {
    %get3A = arith.constant 0 : index
    %get3A_0 = arith.index_cast %arg0 : i32 to index
    %get3A_1 = memref.load %arg1[%get3A, %get3A_0] : memref<1x32xi32, #tpu.memory_space<smem>>
    %c0_i32 = arith.constant 0 : i32
    %c0_i32_2 = arith.constant 0 : i32
    %c0_i32_3 = arith.constant 0 : i32
    return %get3A_1, %c0_i32, %c0_i32_2 : i32, i32, i32
  }
  func.func @transform_2(%arg0: i32, %arg1: memref<1x32xi32, #tpu.memory_space<smem>>, %arg2: memref<1x32xi32, #tpu.memory_space<smem>>) -> (i32, i32, i32) {
    %get3A = arith.constant 0 : index
    %get3A_0 = arith.index_cast %arg0 : i32 to index
    %get3A_1 = memref.load %arg1[%get3A, %get3A_0] : memref<1x32xi32, #tpu.memory_space<smem>>
    %c0_i32 = arith.constant 0 : i32
    %c0_i32_2 = arith.constant 0 : i32
    %c0_i32_3 = arith.constant 0 : i32
    return %get3A_1, %c0_i32, %c0_i32_2 : i32, i32, i32
  }
  func.func @transform_3(%arg0: i32, %arg1: memref<1x32xi32, #tpu.memory_space<smem>>, %arg2: memref<1x32xi32, #tpu.memory_space<smem>>) -> (i32, i32) {
    %c0_i32 = arith.constant 0 : i32
    %c0_i32_0 = arith.constant 0 : i32
    return %arg0, %c0_i32 : i32, i32
  }
}

module attributes {stable_mosaic.version = 14 : i64} {
  func.func @_combine_kernel(%arg0: i32, %arg1: memref<256x1024xf32, #tpu.memory_space<vmem>>, %arg2: memref<2x256x1024xf32, #tpu.memory_space<vmem>>, %arg3: memref<256x2xf32, #tpu.memory_space<vmem>>, %arg4: memref<256x1024xf32, #tpu.memory_space<vmem>>) attributes {dimension_semantics = [#tpu.dimension_semantics<arbitrary>], iteration_bounds = array<i64: 8>, scalar_prefetch = 0 : i64, scratch_operands = 0 : i64, tpu.core_type = #tpu.core_type<tc>, window_params = [{transform_indices = @transform_0, window_bounds = array<i64: 256, 1024>}, {transform_indices = @transform_1, window_bounds = array<i64: 2, 256, 1024>}, {transform_indices = @transform_2, window_bounds = array<i64: 256, 2>}, {transform_indices = @transform_3, window_bounds = array<i64: 256, 1024>}]} {
    %get3A = arith.constant 0 : index
    %get3A_0 = arith.constant 0 : index
    %get3A_1 = vector.load %arg1[%get3A, %get3A_0] : memref<256x1024xf32, #tpu.memory_space<vmem>>, vector<256x1024xf32>
    %get3A_2 = arith.constant 0 : index
    %get3A_3 = arith.constant 0 : index
    %get3A_4 = arith.constant 0 : index
    %get3A_5 = vector.load %arg2[%get3A_2, %get3A_3, %get3A_4] : memref<2x256x1024xf32, #tpu.memory_space<vmem>>, vector<1x256x1024xf32>
    %get3A_6 = vector.shape_cast %get3A_5 : vector<1x256x1024xf32> to vector<256x1024xf32>
    %get3A_7 = arith.constant 0 : index
    %get3A_8 = arith.constant 0 : index
    %get3A_9 = vector.load %arg3[%get3A_7, %get3A_8] : memref<256x2xf32, #tpu.memory_space<vmem>>, vector<256x1xf32>
    %mul3A = vector.broadcast %get3A_9 : vector<256x1xf32> to vector<256x1024xf32>
    %mul3A_10 = arith.mulf %get3A_6, %mul3A : vector<256x1024xf32>
    %add3A = arith.addf %get3A_1, %mul3A_10 : vector<256x1024xf32>
    %get3A_11 = arith.constant 1 : index
    %get3A_12 = arith.constant 0 : index
    %get3A_13 = arith.constant 0 : index
    %get3A_14 = vector.load %arg2[%get3A_11, %get3A_12, %get3A_13] : memref<2x256x1024xf32, #tpu.memory_space<vmem>>, vector<1x256x1024xf32>
    %get3A_15 = vector.shape_cast %get3A_14 : vector<1x256x1024xf32> to vector<256x1024xf32>
    %get3A_16 = arith.constant 0 : index
    %get3A_17 = arith.constant 1 : index
    %get3A_18 = vector.load %arg3[%get3A_16, %get3A_17] : memref<256x2xf32, #tpu.memory_space<vmem>>, vector<256x1xf32>
    %mul3A_19 = vector.broadcast %get3A_18 : vector<256x1xf32> to vector<256x1024xf32>
    %mul3A_20 = arith.mulf %get3A_15, %mul3A_19 : vector<256x1024xf32>
    %add3A_21 = arith.addf %add3A, %mul3A_20 : vector<256x1024xf32>
    %swap3A = arith.constant 0 : index
    %swap3A_22 = arith.constant 0 : index
    %swap3A_23 = vector.load %arg4[%swap3A, %swap3A_22] : memref<256x1024xf32, #tpu.memory_space<vmem>>, vector<256x1024xf32>
    tpu.vector_store %arg4[%swap3A, %swap3A_22], %add3A_21 {strides = array<i32>} : memref<256x1024xf32, #tpu.memory_space<vmem>>, vector<256x1024xf32>,
    return
  }
  func.func @transform_0(%arg0: i32) -> (i32, i32) {
    %c0_i32 = arith.constant 0 : i32
    %c0_i32_0 = arith.constant 0 : i32
    return %arg0, %c0_i32 : i32, i32
  }
  func.func @transform_1(%arg0: i32) -> (i32, i32, i32) {
    %c0_i32 = arith.constant 0 : i32
    %c0_i32_0 = arith.constant 0 : i32
    %c0_i32_1 = arith.constant 0 : i32
    return %c0_i32, %arg0, %c0_i32_0 : i32, i32, i32
  }
  func.func @transform_2(%arg0: i32) -> (i32, i32) {
    %c0_i32 = arith.constant 0 : i32
    %c0_i32_0 = arith.constant 0 : i32
    return %arg0, %c0_i32 : i32, i32
  }
  func.func @transform_3(%arg0: i32) -> (i32, i32) {
    %c0_i32 = arith.constant 0 : i32
    %c0_i32_0 = arith.constant 0 : i32
    return %arg0, %c0_i32 : i32, i32
  }
}

module attributes {stable_mosaic.version = 14 : i64} {
  func.func @_shared_kernel(%arg0: i32, %arg1: memref<256x1024xf32, #tpu.memory_space<vmem>>, %arg2: memref<1024x1024xf32, #tpu.memory_space<vmem>>, %arg3: memref<1024x1024xf32, #tpu.memory_space<vmem>>, %arg4: memref<256x1024xf32, #tpu.memory_space<vmem>>) attributes {dimension_semantics = [#tpu.dimension_semantics<arbitrary>], iteration_bounds = array<i64: 8>, scalar_prefetch = 0 : i64, scratch_operands = 0 : i64, tpu.core_type = #tpu.core_type<tc>, window_params = [{transform_indices = @transform_0, window_bounds = array<i64: 256, 1024>}, {pipeline_mode = #tpu.pipeline_mode<synchronous>, transform_indices = @transform_1, window_bounds = array<i64: 1024, 1024>}, {pipeline_mode = #tpu.pipeline_mode<synchronous>, transform_indices = @transform_2, window_bounds = array<i64: 1024, 1024>}, {transform_indices = @transform_3, window_bounds = array<i64: 256, 1024>}]} {
    %get3A = arith.constant 0 : index
    %get3A_0 = arith.constant 0 : index
    %get3A_1 = vector.load %arg1[%get3A, %get3A_0] : memref<256x1024xf32, #tpu.memory_space<vmem>>, vector<256x1024xf32>
    %convert_element_type3A = arith.truncf %get3A_1 : vector<256x1024xf32> to vector<256x1024xbf16>
    %get3A_2 = arith.constant 0 : index
    %get3A_3 = arith.constant 0 : index
    %get3A_4 = vector.load %arg2[%get3A_2, %get3A_3] : memref<1024x1024xf32, #tpu.memory_space<vmem>>, vector<1024x1024xf32>
    %convert_element_type3A_5 = arith.truncf %get3A_4 : vector<1024x1024xf32> to vector<1024x1024xbf16>
    %dot_general3A = arith.constant dense<0.000000e+00> : vector<256x1024xf32>
    %dot_general3A_6 = tpu.matmul %convert_element_type3A, %convert_element_type3A_5, %dot_general3A {dimension_numbers = #tpu.dot_dimension_numbers<[1], [1], [0], [0], [0, 0, 1, 0], [], []>, transpose_lhs_hint = false} : vector<256x1024xbf16>, vector<1024x1024xbf16>, vector<256x1024xf32> -> vector<256x1024xf32>
    %neg3A = arith.constant 0.000000e+00 : f32
    %neg3A_7 = vector.broadcast %neg3A : f32 to vector<256x1024xf32>
    %neg3A_8 = arith.subf %neg3A_7, %dot_general3A_6 : vector<256x1024xf32>
    %exp3A = math.exp %neg3A_8 : vector<256x1024xf32>
    %add3A = arith.constant 1.000000e+00 : f32
    %add3A_9 = vector.broadcast %add3A : f32 to vector<256x1024xf32>
    %add3A_10 = arith.addf %add3A_9, %exp3A : vector<256x1024xf32>
    %div3A = arith.constant 1.000000e+00 : f32
    %div3A_11 = vector.broadcast %div3A : f32 to vector<256x1024xf32>
    %div3A_12 = arith.divf %div3A_11, %add3A_10 : vector<256x1024xf32>
    %mul3A = arith.mulf %dot_general3A_6, %div3A_12 : vector<256x1024xf32>
    %convert_element_type3A_13 = arith.truncf %mul3A : vector<256x1024xf32> to vector<256x1024xbf16>
    %get3A_14 = arith.constant 0 : index
    %get3A_15 = arith.constant 0 : index
    %get3A_16 = vector.load %arg3[%get3A_14, %get3A_15] : memref<1024x1024xf32, #tpu.memory_space<vmem>>, vector<1024x1024xf32>
    %convert_element_type3A_17 = arith.truncf %get3A_16 : vector<1024x1024xf32> to vector<1024x1024xbf16>
    %dot_general3A_18 = arith.constant dense<0.000000e+00> : vector<256x1024xf32>
    %dot_general3A_19 = tpu.matmul %convert_element_type3A_13, %convert_element_type3A_17, %dot_general3A_18 {dimension_numbers = #tpu.dot_dimension_numbers<[1], [1], [0], [0], [0, 0, 1, 0], [], []>, transpose_lhs_hint = false} : vector<256x1024xbf16>, vector<1024x1024xbf16>, vector<256x1024xf32> -> vector<256x1024xf32>
    %swap3A = arith.constant 0 : index
    %swap3A_20 = arith.constant 0 : index
    %swap3A_21 = vector.load %arg4[%swap3A, %swap3A_20] : memref<256x1024xf32, #tpu.memory_space<vmem>>, vector<256x1024xf32>
    tpu.vector_store %arg4[%swap3A, %swap3A_20], %dot_general3A_19 {strides = array<i32>} : memref<256x1024xf32, #tpu.memory_space<vmem>>, vector<256x1024xf32>,
    return
  }
  func.func @transform_0(%arg0: i32) -> (i32, i32) {
    %c0_i32 = arith.constant 0 : i32
    %c0_i32_0 = arith.constant 0 : i32
    return %arg0, %c0_i32 : i32, i32
  }
  func.func @transform_1(%arg0: i32) -> (i32, i32) {
    %c0_i32 = arith.constant 0 : i32
    %c0_i32_0 = arith.constant 0 : i32
    %c0_i32_1 = arith.constant 0 : i32
    return %c0_i32, %c0_i32_0 : i32, i32
  }
  func.func @transform_2(%arg0: i32) -> (i32, i32) {
    %c0_i32 = arith.constant 0 : i32
    %c0_i32_0 = arith.constant 0 : i32
    %c0_i32_1 = arith.constant 0 : i32
    return %c0_i32, %c0_i32_0 : i32, i32
  }
  func.func @transform_3(%arg0: i32) -> (i32, i32) {
    %c0_i32 = arith.constant 0 : i32
    %c0_i32_0 = arith.constant 0 : i32
    return %arg0, %c0_i32 : i32, i32
  }
}

module attributes {stable_mosaic.version = 14 : i64} {
  func.func @_route_kernel(%arg0: memref<2048x1024xf32, #tpu.memory_space<vmem>>, %arg1: memref<16x1024xf32, #tpu.memory_space<vmem>>, %arg2: memref<1x4096xi32, #tpu.memory_space<vmem>>, %arg3: memref<2048x2xf32, #tpu.memory_space<vmem>>, %arg4: memref<1x32xi32, #tpu.memory_space<vmem>>, %arg5: memref<1x32xi32, #tpu.memory_space<vmem>>) attributes {dimension_semantics = [], scalar_prefetch = 0 : i64, scratch_operands = 0 : i64, tpu.core_type = #tpu.core_type<tc>} {
    %get3A = arith.constant 0 : index
    %get3A_0 = arith.constant 0 : index
    %get3A_1 = vector.load %arg0[%get3A, %get3A_0] : memref<2048x1024xf32, #tpu.memory_space<vmem>>, vector<2048x1024xf32>
    %get3A_2 = arith.constant 0 : index
    %get3A_3 = arith.constant 0 : index
    %get3A_4 = vector.load %arg1[%get3A_2, %get3A_3] : memref<16x1024xf32, #tpu.memory_space<vmem>>, vector<16x1024xf32>
    %dot_general3A = arith.constant dense<0.000000e+00> : vector<2048x16xf32>
    %dot_general3A_5 = tpu.matmul %get3A_1, %get3A_4, %dot_general3A {dimension_numbers = #tpu.dot_dimension_numbers<[1], [1], [0], [0], [0, 0, 1, 0], [], []>, transpose_lhs_hint = false} : vector<2048x1024xf32>, vector<16x1024xf32>, vector<2048x16xf32> -> vector<2048x16xf32>
    %reduce_max3A = arith.constant dense<0xFF800000> : vector<2048xf32>
    %reduce_max3A_6 = vector.multi_reduction <maximumf>, %dot_general3A_5, %reduce_max3A [1] : vector<2048x16xf32> to vector<2048xf32>
    %broadcast_in_dim3A = vector.shape_cast %reduce_max3A_6 : vector<2048xf32> to vector<2048x1xf32>
    %sub3A = vector.broadcast %broadcast_in_dim3A : vector<2048x1xf32> to vector<2048x16xf32>
    %sub3A_7 = arith.subf %dot_general3A_5, %sub3A : vector<2048x16xf32>
    %exp3A = math.exp %sub3A_7 : vector<2048x16xf32>
    %reduce_sum3A = arith.constant dense<0.000000e+00> : vector<2048xf32>
    %reduce_sum3A_8 = vector.multi_reduction <add>, %exp3A, %reduce_sum3A [1] : vector<2048x16xf32> to vector<2048xf32>
    %broadcast_in_dim3A_9 = vector.shape_cast %reduce_sum3A_8 : vector<2048xf32> to vector<2048x1xf32>
    %div3A = vector.broadcast %broadcast_in_dim3A_9 : vector<2048x1xf32> to vector<2048x16xf32>
    %div3A_10 = arith.divf %exp3A, %div3A : vector<2048x16xf32>
    %iota3A = tpu.iota {dimensions = array<i32: 1>} : vector<2048x16xi32>
    %reduce_max3A_11 = arith.constant dense<0xFF800000> : vector<2048xf32>
    %reduce_max3A_12 = vector.multi_reduction <maximumf>, %div3A_10, %reduce_max3A_11 [1] : vector<2048x16xf32> to vector<2048xf32>
    %broadcast_in_dim3A_13 = vector.shape_cast %reduce_max3A_12 : vector<2048xf32> to vector<2048x1xf32>
    %eq3A = vector.broadcast %broadcast_in_dim3A_13 : vector<2048x1xf32> to vector<2048x16xf32>
    %eq3A_14 = arith.cmpf oeq, %div3A_10, %eq3A : vector<2048x16xf32>
    %jit3A = arith.constant 16 : i32
    %broadcast_in_dim3A_15 = vector.broadcast %jit3A : i32 to vector<2048x16xi32>
    %select_n3A = arith.select %eq3A_14, %iota3A, %broadcast_in_dim3A_15 : vector<2048x16xi1>, vector<2048x16xi32>
    %reduce_min3A = arith.constant dense<2147483647> : vector<2048xi32>
    %reduce_min3A_16 = vector.multi_reduction <minsi>, %select_n3A, %reduce_min3A [1] : vector<2048x16xi32> to vector<2048xi32>
    %broadcast_in_dim3A_17 = vector.shape_cast %reduce_min3A_16 : vector<2048xi32> to vector<2048x1xi32>
    %eq3A_18 = vector.broadcast %broadcast_in_dim3A_17 : vector<2048x1xi32> to vector<2048x16xi32>
    %eq3A_19 = arith.cmpi eq, %iota3A, %eq3A_18 : vector<2048x16xi32>
    %jit3A_20 = arith.constant -1.000000e+00 : f32
    %broadcast_in_dim3A_21 = vector.broadcast %jit3A_20 : f32 to vector<2048x16xf32>
    %select_n3A_22 = arith.select %eq3A_19, %broadcast_in_dim3A_21, %div3A_10 : vector<2048x16xi1>, vector<2048x16xf32>
    %reduce_max3A_23 = arith.constant dense<0xFF800000> : vector<2048xf32>
    %reduce_max3A_24 = vector.multi_reduction <maximumf>, %select_n3A_22, %reduce_max3A_23 [1] : vector<2048x16xf32> to vector<2048xf32>
    %broadcast_in_dim3A_25 = vector.shape_cast %reduce_max3A_24 : vector<2048xf32> to vector<2048x1xf32>
    %eq3A_26 = vector.broadcast %broadcast_in_dim3A_25 : vector<2048x1xf32> to vector<2048x16xf32>
    %eq3A_27 = arith.cmpf oeq, %select_n3A_22, %eq3A_26 : vector<2048x16xf32>
    %jit3A_28 = arith.constant 16 : i32
    %broadcast_in_dim3A_29 = vector.broadcast %jit3A_28 : i32 to vector<2048x16xi32>
    %select_n3A_30 = arith.select %eq3A_27, %iota3A, %broadcast_in_dim3A_29 : vector<2048x16xi1>, vector<2048x16xi32>
    %reduce_min3A_31 = arith.constant dense<2147483647> : vector<2048xi32>
    %reduce_min3A_32 = vector.multi_reduction <minsi>, %select_n3A_30, %reduce_min3A_31 [1] : vector<2048x16xi32> to vector<2048xi32>
    %broadcast_in_dim3A_33 = vector.shape_cast %reduce_min3A_32 : vector<2048xi32> to vector<2048x1xi32>
    %eq3A_34 = vector.broadcast %broadcast_in_dim3A_33 : vector<2048x1xi32> to vector<2048x16xi32>
    %eq3A_35 = arith.cmpi eq, %iota3A, %eq3A_34 : vector<2048x16xi32>
    %add3A = arith.addf %broadcast_in_dim3A_13, %broadcast_in_dim3A_25 : vector<2048x1xf32>
    %div3A_36 = arith.divf %broadcast_in_dim3A_13, %add3A : vector<2048x1xf32>
    %div3A_37 = arith.divf %broadcast_in_dim3A_25, %add3A : vector<2048x1xf32>
    %concatenate3A = tpu.concatenate %div3A_36, %div3A_37 in 1 : vector<2048x1xf32>, vector<2048x1xf32> -> vector<2048x2xf32>
    %swap3A = arith.constant 0 : index
    %swap3A_38 = arith.constant 0 : index
    %swap3A_39 = vector.load %arg3[%swap3A, %swap3A_38] : memref<2048x2xf32, #tpu.memory_space<vmem>>, vector<2048x2xf32>
    tpu.vector_store %arg3[%swap3A, %swap3A_38], %concatenate3A {strides = array<i32>} : memref<2048x2xf32, #tpu.memory_space<vmem>>, vector<2048x2xf32>,
    %or3A = arith.ori %eq3A_19, %eq3A_35 : vector<2048x16xi1>
    %convert_element_type3A = arith.extui %or3A : vector<2048x16xi1> to vector<2048x16xi32>
    %convert_element_type3A_40 = arith.sitofp %convert_element_type3A : vector<2048x16xi32> to vector<2048x16xf32>
    %convert_element_type3A_41 = arith.truncf %convert_element_type3A_40 : vector<2048x16xf32> to vector<2048x16xbf16>
    %iota3A_42 = tpu.iota {dimensions = array<i32: 0>} : vector<256x256xi32>
    %iota3A_43 = tpu.iota {dimensions = array<i32: 1>} : vector<256x256xi32>
    %ge3A = arith.cmpi sge, %iota3A_42, %iota3A_43 : vector<256x256xi32>
    %convert_element_type3A_44 = arith.extui %ge3A : vector<256x256xi1> to vector<256x256xi32>
    %convert_element_type3A_45 = arith.sitofp %convert_element_type3A_44 : vector<256x256xi32> to vector<256x256xf32>
    %convert_element_type3A_46 = arith.truncf %convert_element_type3A_45 : vector<256x256xf32> to vector<256x256xbf16>
    %broadcast_in_dim3A_47 = arith.constant 0.000000e+00 : f32
    %broadcast_in_dim3A_48 = vector.broadcast %broadcast_in_dim3A_47 : f32 to vector<1x16xf32>
    %slice3A = vector.extract_strided_slice %convert_element_type3A_41 {offsets = [0, 0], sizes = [256, 16], strides = [1, 1]} : vector<2048x16xbf16> to vector<256x16xbf16>
    %dot_general3A_49 = arith.constant dense<0.000000e+00> : vector<256x16xf32>
    %dot_general3A_50 = tpu.matmul %convert_element_type3A_46, %slice3A, %dot_general3A_49 {dimension_numbers = #tpu.dot_dimension_numbers<[1], [0], [0], [1], [0, 0, 1, 1], [], []>, transpose_lhs_hint = false} : vector<256x256xbf16>, vector<256x16xbf16>, vector<256x16xf32> -> vector<256x16xf32>
    %add3A_51 = vector.broadcast %broadcast_in_dim3A_48 : vector<1x16xf32> to vector<256x16xf32>
    %add3A_52 = arith.addf %dot_general3A_50, %add3A_51 : vector<256x16xf32>
    %slice3A_53 = vector.extract_strided_slice %add3A_52 {offsets = [255, 0], sizes = [1, 16], strides = [1, 1]} : vector<256x16xf32> to vector<1x16xf32>
    %slice3A_54 = vector.extract_strided_slice %convert_element_type3A_41 {offsets = [256, 0], sizes = [256, 16], strides = [1, 1]} : vector<2048x16xbf16> to vector<256x16xbf16>
    %dot_general3A_55 = arith.constant dense<0.000000e+00> : vector<256x16xf32>
    %dot_general3A_56 = tpu.matmul %convert_element_type3A_46, %slice3A_54, %dot_general3A_55 {dimension_numbers = #tpu.dot_dimension_numbers<[1], [0], [0], [1], [0, 0, 1, 1], [], []>, transpose_lhs_hint = false} : vector<256x256xbf16>, vector<256x16xbf16>, vector<256x16xf32> -> vector<256x16xf32>
    %add3A_57 = vector.broadcast %slice3A_53 : vector<1x16xf32> to vector<256x16xf32>
    %add3A_58 = arith.addf %dot_general3A_56, %add3A_57 : vector<256x16xf32>
    %slice3A_59 = vector.extract_strided_slice %add3A_58 {offsets = [255, 0], sizes = [1, 16], strides = [1, 1]} : vector<256x16xf32> to vector<1x16xf32>
    %slice3A_60 = vector.extract_strided_slice %convert_element_type3A_41 {offsets = [512, 0], sizes = [256, 16], strides = [1, 1]} : vector<2048x16xbf16> to vector<256x16xbf16>
    %dot_general3A_61 = arith.constant dense<0.000000e+00> : vector<256x16xf32>
    %dot_general3A_62 = tpu.matmul %convert_element_type3A_46, %slice3A_60, %dot_general3A_61 {dimension_numbers = #tpu.dot_dimension_numbers<[1], [0], [0], [1], [0, 0, 1, 1], [], []>, transpose_lhs_hint = false} : vector<256x256xbf16>, vector<256x16xbf16>, vector<256x16xf32> -> vector<256x16xf32>
    %add3A_63 = vector.broadcast %slice3A_59 : vector<1x16xf32> to vector<256x16xf32>
    %add3A_64 = arith.addf %dot_general3A_62, %add3A_63 : vector<256x16xf32>
    %slice3A_65 = vector.extract_strided_slice %add3A_64 {offsets = [255, 0], sizes = [1, 16], strides = [1, 1]} : vector<256x16xf32> to vector<1x16xf32>
    %slice3A_66 = vector.extract_strided_slice %convert_element_type3A_41 {offsets = [768, 0], sizes = [256, 16], strides = [1, 1]} : vector<2048x16xbf16> to vector<256x16xbf16>
    %dot_general3A_67 = arith.constant dense<0.000000e+00> : vector<256x16xf32>
    %dot_general3A_68 = tpu.matmul %convert_element_type3A_46, %slice3A_66, %dot_general3A_67 {dimension_numbers = #tpu.dot_dimension_numbers<[1], [0], [0], [1], [0, 0, 1, 1], [], []>, transpose_lhs_hint = false} : vector<256x256xbf16>, vector<256x16xbf16>, vector<256x16xf32> -> vector<256x16xf32>
    %add3A_69 = vector.broadcast %slice3A_65 : vector<1x16xf32> to vector<256x16xf32>
    %add3A_70 = arith.addf %dot_general3A_68, %add3A_69 : vector<256x16xf32>
    %slice3A_71 = vector.extract_strided_slice %add3A_70 {offsets = [255, 0], sizes = [1, 16], strides = [1, 1]} : vector<256x16xf32> to vector<1x16xf32>
    %slice3A_72 = vector.extract_strided_slice %convert_element_type3A_41 {offsets = [1024, 0], sizes = [256, 16], strides = [1, 1]} : vector<2048x16xbf16> to vector<256x16xbf16>
    %dot_general3A_73 = arith.constant dense<0.000000e+00> : vector<256x16xf32>
    %dot_general3A_74 = tpu.matmul %convert_element_type3A_46, %slice3A_72, %dot_general3A_73 {dimension_numbers = #tpu.dot_dimension_numbers<[1], [0], [0], [1], [0, 0, 1, 1], [], []>, transpose_lhs_hint = false} : vector<256x256xbf16>, vector<256x16xbf16>, vector<256x16xf32> -> vector<256x16xf32>
    %add3A_75 = vector.broadcast %slice3A_71 : vector<1x16xf32> to vector<256x16xf32>
    %add3A_76 = arith.addf %dot_general3A_74, %add3A_75 : vector<256x16xf32>
    %slice3A_77 = vector.extract_strided_slice %add3A_76 {offsets = [255, 0], sizes = [1, 16], strides = [1, 1]} : vector<256x16xf32> to vector<1x16xf32>
    %slice3A_78 = vector.extract_strided_slice %convert_element_type3A_41 {offsets = [1280, 0], sizes = [256, 16], strides = [1, 1]} : vector<2048x16xbf16> to vector<256x16xbf16>
    %dot_general3A_79 = arith.constant dense<0.000000e+00> : vector<256x16xf32>
    %dot_general3A_80 = tpu.matmul %convert_element_type3A_46, %slice3A_78, %dot_general3A_79 {dimension_numbers = #tpu.dot_dimension_numbers<[1], [0], [0], [1], [0, 0, 1, 1], [], []>, transpose_lhs_hint = false} : vector<256x256xbf16>, vector<256x16xbf16>, vector<256x16xf32> -> vector<256x16xf32>
    %add3A_81 = vector.broadcast %slice3A_77 : vector<1x16xf32> to vector<256x16xf32>
    %add3A_82 = arith.addf %dot_general3A_80, %add3A_81 : vector<256x16xf32>
    %slice3A_83 = vector.extract_strided_slice %add3A_82 {offsets = [255, 0], sizes = [1, 16], strides = [1, 1]} : vector<256x16xf32> to vector<1x16xf32>
    %slice3A_84 = vector.extract_strided_slice %convert_element_type3A_41 {offsets = [1536, 0], sizes = [256, 16], strides = [1, 1]} : vector<2048x16xbf16> to vector<256x16xbf16>
    %dot_general3A_85 = arith.constant dense<0.000000e+00> : vector<256x16xf32>
    %dot_general3A_86 = tpu.matmul %convert_element_type3A_46, %slice3A_84, %dot_general3A_85 {dimension_numbers = #tpu.dot_dimension_numbers<[1], [0], [0], [1], [0, 0, 1, 1], [], []>, transpose_lhs_hint = false} : vector<256x256xbf16>, vector<256x16xbf16>, vector<256x16xf32> -> vector<256x16xf32>
    %add3A_87 = vector.broadcast %slice3A_83 : vector<1x16xf32> to vector<256x16xf32>
    %add3A_88 = arith.addf %dot_general3A_86, %add3A_87 : vector<256x16xf32>
    %slice3A_89 = vector.extract_strided_slice %add3A_88 {offsets = [255, 0], sizes = [1, 16], strides = [1, 1]} : vector<256x16xf32> to vector<1x16xf32>
    %slice3A_90 = vector.extract_strided_slice %convert_element_type3A_41 {offsets = [1792, 0], sizes = [256, 16], strides = [1, 1]} : vector<2048x16xbf16> to vector<256x16xbf16>
    %dot_general3A_91 = arith.constant dense<0.000000e+00> : vector<256x16xf32>
    %dot_general3A_92 = tpu.matmul %convert_element_type3A_46, %slice3A_90, %dot_general3A_91 {dimension_numbers = #tpu.dot_dimension_numbers<[1], [0], [0], [1], [0, 0, 1, 1], [], []>, transpose_lhs_hint = false} : vector<256x256xbf16>, vector<256x16xbf16>, vector<256x16xf32> -> vector<256x16xf32>
    %add3A_93 = vector.broadcast %slice3A_89 : vector<1x16xf32> to vector<256x16xf32>
    %add3A_94 = arith.addf %dot_general3A_92, %add3A_93 : vector<256x16xf32>
    %slice3A_95 = vector.extract_strided_slice %add3A_94 {offsets = [255, 0], sizes = [1, 16], strides = [1, 1]} : vector<256x16xf32> to vector<1x16xf32>
    %concatenate3A_96 = tpu.concatenate %add3A_52, %add3A_58, %add3A_64, %add3A_70, %add3A_76, %add3A_82, %add3A_88, %add3A_94 in 0 : vector<256x16xf32>, vector<256x16xf32>, vector<256x16xf32>, vector<256x16xf32>, vector<256x16xf32>, vector<256x16xf32>, vector<256x16xf32>, vector<256x16xf32> -> vector<2048x16xf32>
    %mul3A = arith.constant 3.906250e-03 : f32
    %mul3A_97 = vector.broadcast %mul3A : f32 to vector<1x16xf32>
    %mul3A_98 = arith.mulf %slice3A_95, %mul3A_97 : vector<1x16xf32>
    %ceil3A = math.ceil %mul3A_98 : vector<1x16xf32>
    %iota3A_99 = tpu.iota {dimensions = array<i32: 0>} : vector<16x16xi32>
    %iota3A_100 = tpu.iota {dimensions = array<i32: 1>} : vector<16x16xi32>
    %lt3A = arith.cmpi slt, %iota3A_99, %iota3A_100 : vector<16x16xi32>
    %convert_element_type3A_101 = arith.extui %lt3A : vector<16x16xi1> to vector<16x16xi32>
    %convert_element_type3A_102 = arith.sitofp %convert_element_type3A_101 : vector<16x16xi32> to vector<16x16xf32>
    %dot_general3A_103 = arith.constant dense<0.000000e+00> : vector<1x16xf32>
    %dot_general3A_104 = tpu.matmul %ceil3A, %convert_element_type3A_102, %dot_general3A_103 {dimension_numbers = #tpu.dot_dimension_numbers<[1], [0], [0], [1], [0, 0, 1, 1], [], []>, transpose_lhs_hint = false} : vector<1x16xf32>, vector<16x16xf32>, vector<1x16xf32> -> vector<1x16xf32>
    %reduce_sum3A_105 = arith.constant dense<0.000000e+00> : vector<1xf32>
    %reduce_sum3A_106 = vector.multi_reduction <add>, %ceil3A, %reduce_sum3A_105 [1] : vector<1x16xf32> to vector<1xf32>
    %broadcast_in_dim3A_107 = vector.shape_cast %reduce_sum3A_106 : vector<1xf32> to vector<1x1xf32>
    %mul3A_108 = arith.constant 2.560000e+02 : f32
    %mul3A_109 = vector.broadcast %mul3A_108 : f32 to vector<1x16xf32>
    %mul3A_110 = arith.mulf %dot_general3A_104, %mul3A_109 : vector<1x16xf32>
    %jit3A_111 = arith.constant 0.000000e+00 : f32
    %broadcast_in_dim3A_112 = vector.broadcast %jit3A_111 : f32 to vector<2048x16xf32>
    %select_n3A_113 = arith.select %eq3A_19, %concatenate3A_96, %broadcast_in_dim3A_112 : vector<2048x16xi1>, vector<2048x16xf32>
    %reduce_sum3A_114 = arith.constant dense<0.000000e+00> : vector<2048xf32>
    %reduce_sum3A_115 = vector.multi_reduction <add>, %select_n3A_113, %reduce_sum3A_114 [1] : vector<2048x16xf32> to vector<2048xf32>
    %broadcast_in_dim3A_116 = vector.shape_cast %reduce_sum3A_115 : vector<2048xf32> to vector<2048x1xf32>
    %sub3A_117 = arith.constant 1.000000e+00 : f32
    %sub3A_118 = vector.broadcast %sub3A_117 : f32 to vector<2048x1xf32>
    %sub3A_119 = arith.subf %broadcast_in_dim3A_116, %sub3A_118 : vector<2048x1xf32>
    %jit3A_120 = arith.constant 0.000000e+00 : f32
    %broadcast_in_dim3A_121 = vector.broadcast %jit3A_120 : f32 to vector<2048x16xf32>
    %select_n3A_122 = arith.select %eq3A_35, %concatenate3A_96, %broadcast_in_dim3A_121 : vector<2048x16xi1>, vector<2048x16xf32>
    %reduce_sum3A_123 = arith.constant dense<0.000000e+00> : vector<2048xf32>
    %reduce_sum3A_124 = vector.multi_reduction <add>, %select_n3A_122, %reduce_sum3A_123 [1] : vector<2048x16xf32> to vector<2048xf32>
    %broadcast_in_dim3A_125 = vector.shape_cast %reduce_sum3A_124 : vector<2048xf32> to vector<2048x1xf32>
    %sub3A_126 = arith.constant 1.000000e+00 : f32
    %sub3A_127 = vector.broadcast %sub3A_126 : f32 to vector<2048x1xf32>
    %sub3A_128 = arith.subf %broadcast_in_dim3A_125, %sub3A_127 : vector<2048x1xf32>
    %broadcast_in_dim3A_129 = vector.shape_cast %mul3A_110 : vector<1x16xf32> to vector<1x16xf32>
    %broadcast_in_dim3A_130 = vector.broadcast %broadcast_in_dim3A_129 : vector<1x16xf32> to vector<2048x16xf32>
    %jit3A_131 = arith.constant 0.000000e+00 : f32
    %broadcast_in_dim3A_132 = vector.broadcast %jit3A_131 : f32 to vector<2048x16xf32>
    %select_n3A_133 = arith.select %eq3A_19, %broadcast_in_dim3A_130, %broadcast_in_dim3A_132 : vector<2048x16xi1>, vector<2048x16xf32>
    %reduce_sum3A_134 = arith.constant dense<0.000000e+00> : vector<2048xf32>
    %reduce_sum3A_135 = vector.multi_reduction <add>, %select_n3A_133, %reduce_sum3A_134 [1] : vector<2048x16xf32> to vector<2048xf32>
    %broadcast_in_dim3A_136 = vector.shape_cast %reduce_sum3A_135 : vector<2048xf32> to vector<2048x1xf32>
    %jit3A_137 = arith.constant 0.000000e+00 : f32
    %broadcast_in_dim3A_138 = vector.broadcast %jit3A_137 : f32 to vector<2048x16xf32>
    %select_n3A_139 = arith.select %eq3A_35, %broadcast_in_dim3A_130, %broadcast_in_dim3A_138 : vector<2048x16xi1>, vector<2048x16xf32>
    %reduce_sum3A_140 = arith.constant dense<0.000000e+00> : vector<2048xf32>
    %reduce_sum3A_141 = vector.multi_reduction <add>, %select_n3A_139, %reduce_sum3A_140 [1] : vector<2048x16xf32> to vector<2048xf32>
    %broadcast_in_dim3A_142 = vector.shape_cast %reduce_sum3A_141 : vector<2048xf32> to vector<2048x1xf32>
    %add3A_143 = arith.addf %broadcast_in_dim3A_136, %sub3A_119 : vector<2048x1xf32>
    %transpose3A = tpu.transpose %add3A_143, [1, 0] : vector<2048x1xf32> -> vector<1x2048xf32>
    %add3A_144 = arith.addf %broadcast_in_dim3A_142, %sub3A_128 : vector<2048x1xf32>
    %transpose3A_145 = tpu.transpose %add3A_144, [1, 0] : vector<2048x1xf32> -> vector<1x2048xf32>
    %concatenate3A_146 = tpu.concatenate %transpose3A, %transpose3A_145 in 1 : vector<1x2048xf32>, vector<1x2048xf32> -> vector<1x4096xf32>
    %convert_element_type3A_147 = arith.fptosi %concatenate3A_146 : vector<1x4096xf32> to vector<1x4096xi32>
    %swap3A_148 = arith.constant 0 : index
    %swap3A_149 = arith.constant 0 : index
    %swap3A_150 = vector.load %arg2[%swap3A_148, %swap3A_149] : memref<1x4096xi32, #tpu.memory_space<vmem>>, vector<1x4096xi32>
    tpu.vector_store %arg2[%swap3A_148, %swap3A_149], %convert_element_type3A_147 {strides = array<i32>} : memref<1x4096xi32, #tpu.memory_space<vmem>>, vector<1x4096xi32>,
    %add3A_151 = arith.addf %dot_general3A_104, %ceil3A : vector<1x16xf32>
    %transpose3A_152 = tpu.transpose %add3A_151, [1, 0] : vector<1x16xf32> -> vector<16x1xf32>
    %iota3A_153 = tpu.iota {dimensions = array<i32: 1>} : vector<16x32xi32>
    %convert_element_type3A_154 = arith.sitofp %iota3A_153 : vector<16x32xi32> to vector<16x32xf32>
    %squeeze3A = vector.extract %broadcast_in_dim3A_107[0, 0] : f32 from vector<1x1xf32>
    %sub3A_155 = arith.constant 1.000000e+00 : f32
    %sub3A_156 = arith.subf %squeeze3A, %sub3A_155 : f32
    %min3A = vector.broadcast %sub3A_156 : f32 to vector<16x32xf32>
    %min3A_157 = arith.minimumf %convert_element_type3A_154, %min3A : vector<16x32xf32>
    %le3A = vector.broadcast %transpose3A_152 : vector<16x1xf32> to vector<16x32xf32>
    %le3A_158 = arith.cmpf ole, %le3A, %min3A_157 : vector<16x32xf32>
    %convert_element_type3A_159 = arith.extui %le3A_158 : vector<16x32xi1> to vector<16x32xi32>
    %convert_element_type3A_160 = arith.sitofp %convert_element_type3A_159 : vector<16x32xi32> to vector<16x32xf32>
    %reduce_sum3A_161 = arith.constant dense<0.000000e+00> : vector<32xf32>
    %reduce_sum3A_162 = vector.multi_reduction <add>, %convert_element_type3A_160, %reduce_sum3A_161 [0] : vector<16x32xf32> to vector<32xf32>
    %broadcast_in_dim3A_163 = vector.shape_cast %reduce_sum3A_162 : vector<32xf32> to vector<1x32xf32>
    %convert_element_type3A_164 = arith.fptosi %broadcast_in_dim3A_163 : vector<1x32xf32> to vector<1x32xi32>
    %swap3A_165 = arith.constant 0 : index
    %swap3A_166 = arith.constant 0 : index
    %swap3A_167 = vector.load %arg4[%swap3A_165, %swap3A_166] : memref<1x32xi32, #tpu.memory_space<vmem>>, vector<1x32xi32>
    tpu.vector_store %arg4[%swap3A_165, %swap3A_166], %convert_element_type3A_164 {strides = array<i32>} : memref<1x32xi32, #tpu.memory_space<vmem>>, vector<1x32xi32>,
    %iota3A_168 = tpu.iota {dimensions = array<i32: 1>} : vector<1x32xi32>
    %convert_element_type3A_169 = arith.sitofp %iota3A_168 : vector<1x32xi32> to vector<1x32xf32>
    %squeeze3A_170 = vector.extract %broadcast_in_dim3A_107[0, 0] : f32 from vector<1x1xf32>
    %lt3A_171 = vector.broadcast %squeeze3A_170 : f32 to vector<1x32xf32>
    %lt3A_172 = arith.cmpf olt, %convert_element_type3A_169, %lt3A_171 : vector<1x32xf32>
    %convert_element_type3A_173 = arith.extui %lt3A_172 : vector<1x32xi1> to vector<1x32xi32>
    %swap3A_174 = arith.constant 0 : index
    %swap3A_175 = arith.constant 0 : index
    %swap3A_176 = vector.load %arg5[%swap3A_174, %swap3A_175] : memref<1x32xi32, #tpu.memory_space<vmem>>, vector<1x32xi32>
    tpu.vector_store %arg5[%swap3A_174, %swap3A_175], %convert_element_type3A_173 {strides = array<i32>} : memref<1x32xi32, #tpu.memory_space<vmem>>, vector<1x32xi32>,
    return
  }
}

</mosaic_0001>

<sc_bundles>
// kernel: kernel.11.cloned.1.call-start
scs
__scs_entry_jumppad:
0x0: {  	(pc) =	sbr.rel $0x88, $3  }
0x1: {  	(tag) =	ssettag $0x0;
	lr =	simm.s32 $0x1  }
0x2: {  	[smem:$0x3F9B] =	sst lr;
	_ =	strace $0xD0000000  }
0x3: {  	_ = 	snop  }
0x4: {  	_ = 	snop  }
0x5: {  	_ = 	snop  }
0x6: {  	_ = 	snop  }
0x7: {  	_ = 	snop  }
__scs_overlays_trampoline_lowered:
0x8: {  	[smem:$0x3FAA] =	sst s0  }
0x9: {  	[smem:$0x3FAB] =	sst s1  }
0xa: {  	[smem:$0x3FAC] =	sst s2  }
0xb: {  	[smem:$0x3FAD] =	sst s3  }
0xc: {  	[smem:$0x3FAE] =	sst s4  }
0xd: {  	[smem:$0x3FAF] =	sst s5  }
0xe: {  	[smem:$0x3FB0] =	sst s6  }
0xf: {  	[smem:$0x3FB1] =	sst s7  }
0x10: {  	[smem:$0x3FB2] =	sst s8  }
0x11: {  	[smem:$0x3FB3] =	sst s9;
	s0 =	simm.s32 @!p0 $0x0  }
0x12: {  	s1 =	sld [smem:$0x3F99];
	s0 =	simm.s32 @p0 $0x1  }
0x13: {  	[smem:$0x3FB4] =	sst s0;
	s0 =	simm.s32 @!p1 $0x0  }
0x14: {  	s2 =	sld [smem:$0x3F98];
	s0 =	simm.s32 @p1 $0x1  }
0x15: {  	[smem:$0x3FB5] =	sst s0;
	s0 =	simm.s32 @!p2 $0x0  }
0x16: {  	s3 =	sld [smem:$0x3FDB];
	s0 =	simm.s32 @p2 $0x1  }
0x17: {  	s4 =	simm.s32 $0x1BF5;
	[smem:$0x3FB7] =	sst s0  }
0x18: {  	s0 =	sld [smem:$0x3F9A];
	_ =	swait.ge [sflag:s4], $0x0  }
0x19: {  	s7 =	sld [smem:$0x3F9B]  }
0x1a: {  	s8 =	sadd.s32 $0xFFFFE003, lr  }
0x1b: {  	s9 =	sadd.s32 $0xFFFFFEF7, lr;
	s5 =	simm.s32 $0xFFFFFFFF;
	p2 =	slt.u32 s8, $0xFFFFF086  }
0x1c: {  	p1 =	slt.u32 s9, $0xF7A;
	s5 =	simm.s32 @!p2 $0x0  }
0x1d: {  	s5 =	simm.s32 @p1 $0x1;
	p0 =	seq.s32 s7, s2  }
0x1e: {  	s7 =	smul.u32 @!p0 $0xF7A, s2;
	p2 =	seq.s32 @!p0 s5, $0x0  }
0x1f: {  	s9 =	smul.u32 $0xF7A, s1;
	s8 =	simm.s32 @!p0 $0x1BF5;
	p2 =	por !p2, p0  }
0x20: {  	[sflag:s8] =	ssyncset.s32 @!p0 $0xFFFFF086;
	s6 =	sadd.s32 @!p0 s3, s7;
	s7 =	simm.s32 @!p0 $0x108  }
0x21: {  	s3 =	sadd.s32 s3, s9;
	s6 =	sadd.s32 @!p0 $0x88, s6;
	s7 =	simm.s32 @p2 $0x1082  }
0x22: {  	[simem:s7], [sflag:s8] =	dma.local @!p0 [hbm:s6], $0xF7A  }
0x23: {  	s9 =	sor.u32 $0xD0000000, s2;
	s6 =	simm.s32 $0x108;
	_ =	swait.ge @!p0 [sflag:s8], $0x0  }
0x24: {  	s3 =	sadd.s32 $0x88, s3;
	s6 =	simm.s32 @!p1 $0x1082;
	[sflag:s4] =	ssyncset.s32 $0xFFFFF086  }
0x25: {  	[simem:s6], [sflag:s4] =	dma.local [hbm:s3], $0xF7A  }
0x26: {  	[smem:$0x3F9B] =	sst s1;
	(tag) =	ssettag s2;
	_ =	strace s9  }
0x27: {  	s1 =	sld [smem:$0x3FAB]  }
0x28: {  	s2 =	sld [smem:$0x3FAC]  }
0x29: {  	s4 =	sld [smem:$0x3FAE]  }
0x2a: {  	p0 =	seq.s32 s5, $0x0;
	s5 =	sld [smem:$0x3FAF]  }
0x2b: {  	s6 =	sld [smem:$0x3FB0]  }
0x2c: {  	s7 =	sld [smem:$0x3FB1]  }
0x2d: {  	s3 =	simm.s32 $0x108;
	s8 =	sld [smem:$0x3FB2]  }
0x2e: {  	s3 =	simm.s32 @!p0 $0x1082;
	s9 =	sld [smem:$0x3FB3]  }
0x2f: {  	lr =	sadd.s32 s0, s3;
	s0 =	sld [smem:$0x3FAA]  }
0x30: {  	s3 =	sld [smem:$0x3FAD]  }
0x31: {  	[smem:$0x3FB6] =	sst s10  }
0x32: {  	s10 =	sld [smem:$0x3FB4];
	_ =	sdelay $0x3  }
0x33: {  	p0 =	seq.s32 s10, $0x1;
	s10 =	sld [smem:$0x3FB6];
	_ =	sdelay $0x3  }
0x34: {  	[smem:$0x3FB6] =	sst s10  }
0x35: {  	s10 =	sld [smem:$0x3FB5];
	_ =	sdelay $0x3  }
0x36: {  	p1 =	seq.s32 s10, $0x1;
	s10 =	sld [smem:$0x3FB6];
	_ =	sdelay $0x3  }
0x37: {  	[smem:$0x3FB6] =	sst s10  }
0x38: {  	s10 =	sld [smem:$0x3FB7]  }
0x39: {  	_ = 	snop;
	(pc) =	sbr.ind lr, $3  }
0x3a: {  	_ = 	snop  }
0x3b: {  	_ = 	snop  }
0x3c: {  	p2 =	seq.s32 s10, $0x1;
	s10 =	sld [smem:$0x3FB6]  }
0x3d: {  	_ =	shalt  }
0x3e: {  	_ =	shalt  }
0x3f: {  	_ =	shalt  }
0x40: {  	_ =	shalt  }
0x41: {  	_ =	shalt  }
0x42: {  	_ =	shalt  }
0x43: {  	_ =	shalt  }
0x44: {  	_ =	shalt  }
0x45: {  	_ =	shalt  }
0x46: {  	_ =	shalt  }
0x47: {  	_ =	shalt  }
0x48: {  	_ =	shalt  }
0x49: {  	_ =	shalt  }
0x4a: {  	_ =	shalt  }
0x4b: {  	_ =	shalt  }
0x4c: {  	_ =	shalt  }
0x4d: {  	_ =	shalt  }
0x4e: {  	_ =	shalt  }
0x4f: {  	_ =	shalt  }
0x50: {  	_ =	shalt  }
0x51: {  	_ =	shalt  }
0x52: {  	_ =	shalt  }
0x53: {  	_ =	shalt  }
0x54: {  	_ =	shalt  }
0x55: {  	_ =	shalt  }
0x56: {  	_ =	shalt  }
0x57: {  	_ =	shalt  }
0x58: {  	_ =	shalt  }
0x59: {  	_ =	shalt  }
0x5a: {  	_ =	shalt  }
0x5b: {  	_ =	shalt  }
0x5c: {  	_ =	shalt  }
0x5d: {  	_ =	shalt  }
0x5e: {  	_ =	shalt  }
0x5f: {  	_ =	shalt  }
0x60: {  	_ =	shalt  }
0x61: {  	_ =	shalt  }
0x62: {  	_ =	shalt  }
0x63: {  	_ =	shalt  }
0x64: {  	_ =	shalt  }
0x65: {  	_ =	shalt  }
0x66: {  	_ =	shalt  }
0x67: {  	_ =	shalt  }
0x68: {  	_ =	shalt  }
0x69: {  	_ =	shalt  }
0x6a: {  	_ =	shalt  }
0x6b: {  	_ =	shalt  }
0x6c: {  	_ =	shalt  }
0x6d: {  	_ =	shalt  }
0x6e: {  	_ =	shalt  }
0x6f: {  	_ =	shalt  }
0x70: {  	_ =	shalt  }
0x71: {  	_ =	shalt  }
0x72: {  	_ =	shalt  }
0x73: {  	_ =	shalt  }
0x74: {  	_ =	shalt  }
0x75: {  	_ =	shalt  }
0x76: {  	_ =	shalt  }
0x77: {  	_ =	shalt  }
0x78: {  	_ =	shalt  }
0x79: {  	_ =	shalt  }
0x7a: {  	_ =	shalt  }
0x7b: {  	_ =	shalt  }
0x7c: {  	_ =	shalt  }
0x7d: {  	_ =	shalt  }
0x7e: {  	_ =	shalt  }
0x7f: {  	_ =	shalt  }
0x80: {  	_ =	shalt  }
0x81: {  	_ =	shalt  }
0x82: {  	_ =	shalt  }
0x83: {  	_ =	shalt  }
0x84: {  	_ =	shalt  }
0x85: {  	_ =	shalt  }
0x86: {  	_ =	shalt  }
0x87: {  	_ =	shalt  }
.Lfunc_end0:
.L_simem_size_0:
called_computation.1_lowered:
.L_overlay_start_0:
0x88: {  	s2 =	sld [smem:$0x3FD9]  }
0x89: {  	s3 =	sld [smem:$0x3FFE];
	_ =	sdelay $0x1  }
0x8a: {  	s1 =	srdreg.scid  }
0x8b: {  	s0 =	sand.u32 $0x1, s1  }
0x8c: {  	s17 =	sshll.u32 s0, $0xA;
	s2 =	sadd.s32 s3, s2  }
0x8d: {  	s2 =	sadd.s32 s2, s17  }
0x8e: {  	[smem:$0x3FC2] =	sst s2  }
0x8f: {  	_ = 	snop  }
0x90: {  	s2 =	sld [smem:$0x3FD0];
	(tm) =	ssettm $0x1  }
0x91: {  	s18 =	sld [smem:$0x3FFB];
	_ =	sdelay $0x3  }
0x92: {  	_ =	strace s18  }
0x93: {  	s3 =	sld [smem:$0x3FFC];
	_ =	sdelay $0x3  }
0x94: {  	_ =	strace s3  }
0x95: {  	s3 =	sld [smem:$0x3FFD];
	_ =	sdelay $0x3  }
0x96: {  	_ =	strace s3  }
0x97: {  	_ =	strace $0x8FFFFFFF  }
0x98: {  	s19 =	sld [smem:$0x3FDB];
	_ =	sdelay $0x1  }
0x99: {  	s4 =	simm.s32 $_scs_section_size  }
0x9a: {  	s5 =	simm.s32 $_size__tile_overlayer_lowered;
	s6 =	simm.s32 $_tile_overlayer_lowered  }
0x9b: {  	s22 =	simm.s32 $0x1BFF;
	s21 =	sshll.u32 s6, $0x1;
	s3 =	sadd.s32 s4, s19  }
0x9c: {  	s7 =	simm.s32 $0x0;
	s20 =	sshll.u32 s5, $0x1;
	s5 =	sadd.s32 s21, s3  }
0x9d: {  	[timem:s7], [sflag:s22] =	dma.local [hbm:s5], s20  }
0x9e: {  	_ =	swait.ge [sflag:s22], s20  }
0x9f: {  	s4 =	ssub.s32 $0x0, s20;
	[sflag:s22] =	ssyncset.done $0x0  }
0xa0: {  	[sflag:s22] =	ssyncadd.s32 s4;
	_ =	sdelay $0x1  }
0xa1: {  	s23 =	simm.s32 $0x1B8B  }
0xa2: {  	_ =	swait.ge [sflag:s23], $0x1  }
0xa3: {  	[sflag:s23] =	ssyncset.done $0x0  }
0xa4: {  	s25 =	simm.s32 $0x1B8E;
	s24 =	sld [smem:$0x3FFE];
	[sflag:s23] =	ssyncadd.s32 $0xFFFFFFFF  }
0xa5: {  	s26 =	simm.s32 $execute0_lowered;
	[smem:$0x3FD2] =	sst s25  }
0xa6: {  	s5 =	sshll.u32 s26, $0x1;
	_ =	strace $0x80000049;
	[dreg:$0x1] =	wrdreg $0xFFFFFFFF  }
0xa7: {  	s28 =	simm.s32 $_size_execute0_lowered;
	s3 =	sadd.s32 s3, s5;
	[dreg:$0x0] =	wrdreg $0x0  }
0xa8: {  	s5 =	sshll.u32 s28, $0x1;
	[dreg:$0x2] =	wrdreg s3  }
0xa9: {  	[dreg:$0x3] =	wrdreg s5  }
0xaa: {  	[dreg:$0x4] =	wrdreg $0xC0  }
0xab: {  	_ =	task [dreg:s7], $0x5FFFF  }
0xac: {  	[dreg:$0x1] =	wrdreg $0xFFFFFFFF  }
0xad: {  	[dreg:$0x0] =	wrdreg $0x60  }
0xae: {  	[dreg:$0x2] =	wrdreg s24  }
0xaf: {  	[dreg:$0x3] =	wrdreg s2  }
0xb0: {  	[dreg:$0x4] =	wrdreg $0x9  }
0xb1: {  	_ =	task.clear_ibuf [dreg:s7], $0x5FFFF;
	_ =	strace $0x90000049  }
0xb2: {  	s29 =	simm.s32 $0x9;
	_ =	strace $0x8000004B  }
0xb3: {  	_ =	swait.ge [sflag:s29], $0x1  }
0xb4: {  	[sflag:s29] =	ssyncadd.s32 $0xFFFFFFFF  }
0xb5: {  	_ =	strace $0x9000004B  }
0xb6: {  	_ =	sfence  }
0xb7: {  	s30 =	sld [smem:$0x0];
	_ =	sdelay $0x2  }
0xb8: {  	s31 =	sshll.u32 s1, $0xD;
	s1 =	sshrl.u32 s1, $0x2  }
0xb9: {  	s3 =	sand.u32 $0x4000, s31;
	s1 =	sadd.s32 s1, s30  }
0xba: {  	s0 =	sor.u32 s3, s0;
	s1 =	sshll.u32 s1, $0x11  }
0xbb: {  	s0 =	sor.u32 s1, s0  }
0xbc: {  	s0 =	sadd.s32 $0x8F2B, s0  }
0xbd: {  	[sflag:s0] =	ssyncadd.remote.s32 $0x1  }
0xbe: {  	_ =	sfence.sel $0xFFFF  }
0xbf: {  	[dreg:$0x0] =	wrdreg $0xFFFFFFFF;
	(pc) =	sbr.abs _section_cstart, $3  }
0xc0: {  	[dreg:$0x1] =	wrdreg $0xFFFFFFFF  }
0xc1: {  	_ =	task.clear_ibuf [dreg:s7], $0x2FFFF;
	_ =	strace $0x9FFFFFFF  }
0xc2: {  	(tm) =	ssettm $0x7FFFFFFF  }
0xc3: {  	_ =	shalt  }
tec
execute0_lowered:
.L_overlay_start_1:
0x0: {  	(tag) =	ssettag $0x1  }
0x1: {  	s0 =	rddreg [dreg:$0x0]  }
0x2: {  	s1 =	rddreg [dreg:$0x1]  }
0x3: {  	s3 =	srdreg.scid;
	s2 =	simm.s32 $0x0;
	s4 =	stileid.u32  }
0x4: {  	s19 =	simm.s32 $0x1;
	s21 =	simm.s32 $0x880;
	s22 =	simm.s32 $0x1080  }
0x5: {  	s28 =	simm.s32 $0x3880;
	s29 =	simm.s32 $0x4080;
	s30 =	simm.s32 $0x4880  }
0x6: {  	s31 =	simm.s32 $0x5080;
	s11 =	simm.s32 $0x7080;
	s12 =	simm.s32 $0x7880  }
0x7: {  	s13 =	simm.s32 $0x8080;
	s14 =	simm.s32 $0x8880;
	s15 =	simm.s32 $0x9080  }
0x8: {  	s16 =	simm.s32 $0x9880;
	s17 =	simm.s32 $0xA080;
	s18 =	simm.s32 $0xA880  }
0x9: {  	s10 =	simm.s32 $0xB080;
	s3 =	sand.u32 $0x1, s3;
	[smem:$0x7FF] =	sst s2  }
0xa: {  	s4 =	sshll.u32 s4, $0x8;
	s5 =	sshll.u32 s3, $0x7;
	_ =	strace $0x8000004A  }
0xb: {  	s23 =	ssub.s32 $0x2, s3;
	s3 =	sadd.s32 $0x101400, s0;
	s4 =	sor.u32 s5, s4  }
0xc: {  	s7 =	sshrl.u32 s23, $0x1;
	s5 =	sadd.s32 $0x101500, s0;
	s6 =	sshll.u32 s4, $0x7  }
0xd: {  	s9 =	ssub.s32 s23, s7;
	s4 =	sshrl.u32 s4, $0x3;
	s7 =	sadd.s32 $0x101700, s0  }
0xe: {  	s23 =	simm.s32 $0x1880;
	s8 =	sadd.s32 s6, s0;
	s4 =	sadd.s32 s1, s4  }
0xf: {  	s6 =	sadd.s32 $0x101600, s0;
	s24 =	sadd.s32 $0x1400, s8;
	[dreg:$0x6] =	wrdreg s4  }
0x10: {  	s0 =	simm.s32 $0x80;
	s25 =	sadd.s32 $0x8, s4;
	[dreg:$0x3] =	wrdreg s24  }
0x11: {  	v2 =	vlaneseq.u32;
	s26 =	sadd.s32 $0x3400, s8;
	s8 =	smax.u32 s9, $0x1;
	[dreg:$0x4] =	wrdreg s25  }
0x12: {  	vm0 =	vmmov $0xffff;
	v1 =	vshrl.u32 v2, $0x3;
	s9 =	simm.s32 $0x2;
	s4 =	simm.s32 $0x6880;
	[dreg:$0x5] =	wrdreg s26  }
0x13: {  	v0 =	vand.u32 $0x7, v2;
	v2 =	vor.u32 $0x8, v2;
	v1 =	vmul.u32 $0x8, v1;
	s24 =	simm.s32 $0x2080;
	s25 =	simm.s32 $0x2880;
	s26 =	simm.s32 $0x3080  }
.LBB2_1:
0x14: {  	s20 =	rddreg [dreg:$0x6]  }
0x15: {  	[tilespmem:s2], [sflag:$0x2] =	stream.linear.gather [hbm4b:s20+s2], $0x40, $0x38;
	[tilespmem:$0x10080] =	vst v63  }
0x16: {  	_ =	swait.ge [sflag:s9], $0x40  }
0x17: {  	[sflag:s9] =	ssyncset.done $0x0  }
0x18: {  	[sflag:s9] =	ssyncadd.s32 $0xFFFFFFC0  }
0x19: {  	v3 =	vld [tilespmem:$0x0];
	_ =	sdelay $0x4  }
0x1a: {  	v4 =	vshll.u32 v3, $0x3  }
0x1b: {  	v3 =	vand.u32 $0x7, v3;
	v4 =	vand.u32 $0xFFFFFFC0, v4  }
0x1c: {  	v3 =	vor.u32 v3, v4  }
0x1d: {  	v4 =	vperm.xlane v3, v0;
	_ =	sdelay $0x1  }
0x1e: {  	v4 =	vadd.s32 v1, v4;
	_ =	sdelay $0x4  }
0x1f: {  	[tilespmem:s0], [sflag:$0x1] =	stream.indirect_vreg.gather [hbm4b:s3+s2], $0x80, v4, vm0, $0xb8;
	[tilespmem:$0x10080] =	vst v63  }
0x20: {  	v3 =	vperm.xlane v3, v2  }
0x21: {  	[tilespmem:s21], [sflag:$0x1] =	stream.indirect_vreg.gather [hbm4b:s5+s2], $0x80, v4, vm0, $0xb8;
	[tilespmem:$0x10080] =	vst v63  }
0x22: {  	v3 =	vadd.s32 v1, v3  }
0x23: {  	[tilespmem:s22], [sflag:$0x1] =	stream.indirect_vreg.gather [hbm4b:s6+s2], $0x80, v4, vm0, $0xb8;
	[tilespmem:$0x10080] =	vst v63  }
0x24: {  	_ = 	snop  }
0x25: {  	[tilespmem:s23], [sflag:$0x1] =	stream.indirect_vreg.gather [hbm4b:s7+s2], $0x80, v4, vm0, $0xb8;
	[tilespmem:$0x10080] =	vst v63  }
0x26: {  	_ = 	snop  }
0x27: {  	[tilespmem:s24], [sflag:$0x1] =	stream.indirect_vreg.gather [hbm4b:s3+s2], $0x80, v3, vm0, $0xb8;
	[tilespmem:$0x10080] =	vst v63  }
0x28: {  	_ = 	snop  }
0x29: {  	[tilespmem:s25], [sflag:$0x1] =	stream.indirect_vreg.gather [hbm4b:s5+s2], $0x80, v3, vm0, $0xb8;
	[tilespmem:$0x10080] =	vst v63  }
0x2a: {  	_ = 	snop  }
0x2b: {  	[tilespmem:s26], [sflag:$0x1] =	stream.indirect_vreg.gather [hbm4b:s6+s2], $0x80, v3, vm0, $0xb8;
	[tilespmem:$0x10080] =	vst v63  }
0x2c: {  	_ = 	snop  }
0x2d: {  	[tilespmem:s28], [sflag:$0x1] =	stream.indirect_vreg.gather [hbm4b:s7+s2], $0x80, v3, vm0, $0xb8;
	[tilespmem:$0x10080] =	vst v63  }
0x2e: {  	v3 =	vld [tilespmem:$0x10];
	_ =	sdelay $0x4  }
0x2f: {  	v57 =	vshll.u32 v3, $0x3  }
0x30: {  	v3 =	vand.u32 $0x7, v3;
	v4 =	vand.u32 $0xFFFFFFC0, v57  }
0x31: {  	v3 =	vor.u32 v3, v4  }
0x32: {  	v4 =	vperm.xlane v3, v0;
	_ =	sdelay $0x1  }
0x33: {  	v4 =	vadd.s32 v1, v4;
	_ =	sdelay $0x4  }
0x34: {  	[tilespmem:s29], [sflag:$0x1] =	stream.indirect_vreg.gather [hbm4b:s3+s2], $0x80, v4, vm0, $0xb8;
	[tilespmem:$0x10080] =	vst v63  }
0x35: {  	v3 =	vperm.xlane v3, v2  }
0x36: {  	[tilespmem:s30], [sflag:$0x1] =	stream.indirect_vreg.gather [hbm4b:s5+s2], $0x80, v4, vm0, $0xb8;
	[tilespmem:$0x10080] =	vst v63  }
0x37: {  	v3 =	vadd.s32 v1, v3  }
0x38: {  	[tilespmem:s31], [sflag:$0x1] =	stream.indirect_vreg.gather [hbm4b:s6+s2], $0x80, v4, vm0, $0xb8;
	[tilespmem:$0x10080] =	vst v63  }
0x39: {  	s1 =	simm.s32 $0x5880  }
0x3a: {  	[tilespmem:s1], [sflag:$0x1] =	stream.indirect_vreg.gather [hbm4b:s7+s2], $0x80, v4, vm0, $0xb8;
	[tilespmem:$0x10080] =	vst v63  }
0x3b: {  	s1 =	simm.s32 $0x6080  }
0x3c: {  	[tilespmem:s1], [sflag:$0x1] =	stream.indirect_vreg.gather [hbm4b:s3+s2], $0x80, v3, vm0, $0xb8;
	[tilespmem:$0x10080] =	vst v63  }
0x3d: {  	_ = 	snop  }
0x3e: {  	[tilespmem:s4], [sflag:$0x1] =	stream.indirect_vreg.gather [hbm4b:s5+s2], $0x80, v3, vm0, $0xb8;
	[tilespmem:$0x10080] =	vst v63  }
0x3f: {  	_ = 	snop  }
0x40: {  	[tilespmem:s11], [sflag:$0x1] =	stream.indirect_vreg.gather [hbm4b:s6+s2], $0x80, v3, vm0, $0xb8;
	[tilespmem:$0x10080] =	vst v63  }
0x41: {  	_ = 	snop  }
0x42: {  	[tilespmem:s12], [sflag:$0x1] =	stream.indirect_vreg.gather [hbm4b:s7+s2], $0x80, v3, vm0, $0xb8;
	[tilespmem:$0x10080] =	vst v63  }
0x43: {  	v3 =	vld [tilespmem:$0x20];
	_ =	sdelay $0x4  }
0x44: {  	v58 =	vshll.u32 v3, $0x3  }
0x45: {  	v3 =	vand.u32 $0x7, v3;
	v4 =	vand.u32 $0xFFFFFFC0, v58  }
0x46: {  	v3 =	vor.u32 v3, v4  }
0x47: {  	v4 =	vperm.xlane v3, v0;
	_ =	sdelay $0x1  }
0x48: {  	v4 =	vadd.s32 v1, v4;
	_ =	sdelay $0x4  }
0x49: {  	[tilespmem:s13], [sflag:$0x1] =	stream.indirect_vreg.gather [hbm4b:s3+s2], $0x80, v4, vm0, $0xb8;
	[tilespmem:$0x10080] =	vst v63  }
0x4a: {  	v3 =	vperm.xlane v3, v2  }
0x4b: {  	[tilespmem:s14], [sflag:$0x1] =	stream.indirect_vreg.gather [hbm4b:s5+s2], $0x80, v4, vm0, $0xb8;
	[tilespmem:$0x10080] =	vst v63  }
0x4c: {  	v3 =	vadd.s32 v1, v3  }
0x4d: {  	[tilespmem:s15], [sflag:$0x1] =	stream.indirect_vreg.gather [hbm4b:s6+s2], $0x80, v4, vm0, $0xb8;
	[tilespmem:$0x10080] =	vst v63  }
0x4e: {  	_ = 	snop  }
0x4f: {  	[tilespmem:s16], [sflag:$0x1] =	stream.indirect_vreg.gather [hbm4b:s7+s2], $0x80, v4, vm0, $0xb8;
	[tilespmem:$0x10080] =	vst v63  }
0x50: {  	_ = 	snop  }
0x51: {  	[tilespmem:s17], [sflag:$0x1] =	stream.indirect_vreg.gather [hbm4b:s3+s2], $0x80, v3, vm0, $0xb8;
	[tilespmem:$0x10080] =	vst v63  }
0x52: {  	_ = 	snop  }
0x53: {  	[tilespmem:s18], [sflag:$0x1] =	stream.indirect_vreg.gather [hbm4b:s5+s2], $0x80, v3, vm0, $0xb8;
	[tilespmem:$0x10080] =	vst v63  }
0x54: {  	_ = 	snop  }
0x55: {  	[tilespmem:s10], [sflag:$0x1] =	stream.indirect_vreg.gather [hbm4b:s6+s2], $0x80, v3, vm0, $0xb8;
	[tilespmem:$0x10080] =	vst v63  }
0x56: {  	s20 =	simm.s32 $0xB880  }
0x57: {  	[tilespmem:s20], [sflag:$0x1] =	stream.indirect_vreg.gather [hbm4b:s7+s2], $0x80, v3, vm0, $0xb8;
	[tilespmem:$0x10080] =	vst v63  }
0x58: {  	v3 =	vld [tilespmem:$0x30];
	_ =	sdelay $0x4  }
0x59: {  	v59 =	vshll.u32 v3, $0x3  }
0x5a: {  	v3 =	vand.u32 $0x7, v3;
	v4 =	vand.u32 $0xFFFFFFC0, v59  }
0x5b: {  	v3 =	vor.u32 v3, v4  }
0x5c: {  	v4 =	vperm.xlane v3, v0;
	_ =	sdelay $0x1  }
0x5d: {  	v4 =	vadd.s32 v1, v4;
	_ =	sdelay $0x3  }
0x5e: {  	s20 =	simm.s32 $0xC080  }
0x5f: {  	[tilespmem:s20], [sflag:$0x1] =	stream.indirect_vreg.gather [hbm4b:s3+s2], $0x80, v4, vm0, $0xb8;
	[tilespmem:$0x10080] =	vst v63  }
0x60: {  	v3 =	vperm.xlane v3, v2;
	s20 =	simm.s32 $0xC880  }
0x61: {  	[tilespmem:s20], [sflag:$0x1] =	stream.indirect_vreg.gather [hbm4b:s5+s2], $0x80, v4, vm0, $0xb8;
	[tilespmem:$0x10080] =	vst v63  }
0x62: {  	v3 =	vadd.s32 v1, v3;
	s20 =	simm.s32 $0xD080  }
0x63: {  	[tilespmem:s20], [sflag:$0x1] =	stream.indirect_vreg.gather [hbm4b:s6+s2], $0x80, v4, vm0, $0xb8;
	[tilespmem:$0x10080] =	vst v63  }
0x64: {  	s20 =	simm.s32 $0xD880  }
0x65: {  	[tilespmem:s20], [sflag:$0x1] =	stream.indirect_vreg.gather [hbm4b:s7+s2], $0x80, v4, vm0, $0xb8;
	[tilespmem:$0x10080] =	vst v63  }
0x66: {  	s20 =	simm.s32 $0xE080  }
0x67: {  	[tilespmem:s20], [sflag:$0x1] =	stream.indirect_vreg.gather [hbm4b:s3+s2], $0x80, v3, vm0, $0xb8;
	[tilespmem:$0x10080] =	vst v63  }
0x68: {  	s20 =	simm.s32 $0xE880  }
0x69: {  	[tilespmem:s20], [sflag:$0x1] =	stream.indirect_vreg.gather [hbm4b:s5+s2], $0x80, v3, vm0, $0xb8;
	[tilespmem:$0x10080] =	vst v63  }
0x6a: {  	s20 =	simm.s32 $0xF080  }
0x6b: {  	[tilespmem:s20], [sflag:$0x1] =	stream.indirect_vreg.gather [hbm4b:s6+s2], $0x80, v3, vm0, $0xb8;
	[tilespmem:$0x10080] =	vst v63  }
0x6c: {  	s20 =	simm.s32 $0xF880  }
0x6d: {  	[tilespmem:s20], [sflag:$0x1] =	stream.indirect_vreg.gather [hbm4b:s7+s2], $0x80, v3, vm0, $0xb8;
	[tilespmem:$0x10080] =	vst v63  }
0x6e: {  	_ =	swait.ge [sflag:s19], $0x10000  }
0x6f: {  	[sflag:s19] =	ssyncset.done $0x0  }
0x70: {  	s20 =	rddreg [dreg:$0x3];
	[sflag:s19] =	ssyncadd.s32 $0xFFFF0000  }
0x71: {  	[hbm4b:s20+s2] =	stream.linear.scatter [tilespmem:s0], [sflag:$0x2], $0x10000, $0x38;
	[tilespmem:$0x10080] =	vst v63  }
0x72: {  	_ =	swait.ge [sflag:s9], $0x10000  }
0x73: {  	[sflag:s9] =	ssyncset.done $0x0  }
0x74: {  	s20 =	rddreg [dreg:$0x4];
	[sflag:s9] =	ssyncadd.s32 $0xFFFF0000  }
0x75: {  	[tilespmem:s2], [sflag:$0x2] =	stream.linear.gather [hbm4b:s20+s2], $0x40, $0x38;
	[tilespmem:$0x10080] =	vst v63  }
0x76: {  	_ =	swait.ge [sflag:s9], $0x40  }
0x77: {  	[sflag:s9] =	ssyncset.done $0x0  }
0x78: {  	[sflag:s9] =	ssyncadd.s32 $0xFFFFFFC0  }
0x79: {  	v3 =	vld [tilespmem:$0x0];
	_ =	sdelay $0x4  }
0x7a: {  	v60 =	vshll.u32 v3, $0x3  }
0x7b: {  	v3 =	vand.u32 $0x7, v3;
	v4 =	vand.u32 $0xFFFFFFC0, v60  }
0x7c: {  	v3 =	vor.u32 v3, v4  }
0x7d: {  	v4 =	vperm.xlane v3, v0;
	_ =	sdelay $0x1  }
0x7e: {  	v4 =	vadd.s32 v1, v4;
	_ =	sdelay $0x4  }
0x7f: {  	[tilespmem:s0], [sflag:$0x1] =	stream.indirect_vreg.gather [hbm4b:s3+s2], $0x80, v4, vm0, $0xb8;
	[tilespmem:$0x10080] =	vst v63  }
0x80: {  	v3 =	vperm.xlane v3, v2  }
0x81: {  	[tilespmem:s21], [sflag:$0x1] =	stream.indirect_vreg.gather [hbm4b:s5+s2], $0x80, v4, vm0, $0xb8;
	[tilespmem:$0x10080] =	vst v63  }
0x82: {  	v3 =	vadd.s32 v1, v3  }
0x83: {  	[tilespmem:s22], [sflag:$0x1] =	stream.indirect_vreg.gather [hbm4b:s6+s2], $0x80, v4, vm0, $0xb8;
	[tilespmem:$0x10080] =	vst v63  }
0x84: {  	_ = 	snop  }
0x85: {  	[tilespmem:s23], [sflag:$0x1] =	stream.indirect_vreg.gather [hbm4b:s7+s2], $0x80, v4, vm0, $0xb8;
	[tilespmem:$0x10080] =	vst v63  }
0x86: {  	_ = 	snop  }
0x87: {  	[tilespmem:s24], [sflag:$0x1] =	stream.indirect_vreg.gather [hbm4b:s3+s2], $0x80, v3, vm0, $0xb8;
	[tilespmem:$0x10080] =	vst v63  }
0x88: {  	_ = 	snop  }
0x89: {  	[tilespmem:s25], [sflag:$0x1] =	stream.indirect_vreg.gather [hbm4b:s5+s2], $0x80, v3, vm0, $0xb8;
	[tilespmem:$0x10080] =	vst v63  }
0x8a: {  	_ = 	snop  }
0x8b: {  	[tilespmem:s26], [sflag:$0x1] =	stream.indirect_vreg.gather [hbm4b:s6+s2], $0x80, v3, vm0, $0xb8;
	[tilespmem:$0x10080] =	vst v63  }
0x8c: {  	_ = 	snop  }
0x8d: {  	[tilespmem:s28], [sflag:$0x1] =	stream.indirect_vreg.gather [hbm4b:s7+s2], $0x80, v3, vm0, $0xb8;
	[tilespmem:$0x10080] =	vst v63  }
0x8e: {  	v3 =	vld [tilespmem:$0x10];
	_ =	sdelay $0x4  }
0x8f: {  	v61 =	vshll.u32 v3, $0x3  }
0x90: {  	v3 =	vand.u32 $0x7, v3;
	v4 =	vand.u32 $0xFFFFFFC0, v61  }
0x91: {  	v3 =	vor.u32 v3, v4  }
0x92: {  	v4 =	vperm.xlane v3, v0;
	_ =	sdelay $0x1  }
0x93: {  	v4 =	vadd.s32 v1, v4;
	_ =	sdelay $0x4  }
0x94: {  	[tilespmem:s29], [sflag:$0x1] =	stream.indirect_vreg.gather [hbm4b:s3+s2], $0x80, v4, vm0, $0xb8;
	[tilespmem:$0x10080] =	vst v63  }
0x95: {  	v3 =	vperm.xlane v3, v2  }
0x96: {  	[tilespmem:s30], [sflag:$0x1] =	stream.indirect_vreg.gather [hbm4b:s5+s2], $0x80, v4, vm0, $0xb8;
	[tilespmem:$0x10080] =	vst v63  }
0x97: {  	v3 =	vadd.s32 v1, v3  }
0x98: {  	[tilespmem:s31], [sflag:$0x1] =	stream.indirect_vreg.gather [hbm4b:s6+s2], $0x80, v4, vm0, $0xb8;
	[tilespmem:$0x10080] =	vst v63  }
0x99: {  	s20 =	simm.s32 $0x5880  }
0x9a: {  	[tilespmem:s20], [sflag:$0x1] =	stream.indirect_vreg.gather [hbm4b:s7+s2], $0x80, v4, vm0, $0xb8;
	[tilespmem:$0x10080] =	vst v63  }
0x9b: {  	_ = 	snop  }
0x9c: {  	[tilespmem:s1], [sflag:$0x1] =	stream.indirect_vreg.gather [hbm4b:s3+s2], $0x80, v3, vm0, $0xb8;
	[tilespmem:$0x10080] =	vst v63  }
0x9d: {  	_ = 	snop  }
0x9e: {  	[tilespmem:s4], [sflag:$0x1] =	stream.indirect_vreg.gather [hbm4b:s5+s2], $0x80, v3, vm0, $0xb8;
	[tilespmem:$0x10080] =	vst v63  }
0x9f: {  	_ = 	snop  }
0xa0: {  	[tilespmem:s11], [sflag:$0x1] =	stream.indirect_vreg.gather [hbm4b:s6+s2], $0x80, v3, vm0, $0xb8;
	[tilespmem:$0x10080] =	vst v63  }
0xa1: {  	_ = 	snop  }
0xa2: {  	[tilespmem:s12], [sflag:$0x1] =	stream.indirect_vreg.gather [hbm4b:s7+s2], $0x80, v3, vm0, $0xb8;
	[tilespmem:$0x10080] =	vst v63  }
0xa3: {  	v3 =	vld [tilespmem:$0x20];
	_ =	sdelay $0x4  }
0xa4: {  	v62 =	vshll.u32 v3, $0x3  }
0xa5: {  	v3 =	vand.u32 $0x7, v3;
	v4 =	vand.u32 $0xFFFFFFC0, v62  }
0xa6: {  	v3 =	vor.u32 v3, v4  }
0xa7: {  	v4 =	vperm.xlane v3, v0;
	_ =	sdelay $0x1  }
0xa8: {  	v4 =	vadd.s32 v1, v4;
	_ =	sdelay $0x4  }
0xa9: {  	[tilespmem:s13], [sflag:$0x1] =	stream.indirect_vreg.gather [hbm4b:s3+s2], $0x80, v4, vm0, $0xb8;
	[tilespmem:$0x10080] =	vst v63  }
0xaa: {  	v3 =	vperm.xlane v3, v2  }
0xab: {  	[tilespmem:s14], [sflag:$0x1] =	stream.indirect_vreg.gather [hbm4b:s5+s2], $0x80, v4, vm0, $0xb8;
	[tilespmem:$0x10080] =	vst v63  }
0xac: {  	v3 =	vadd.s32 v1, v3  }
0xad: {  	[tilespmem:s15], [sflag:$0x1] =	stream.indirect_vreg.gather [hbm4b:s6+s2], $0x80, v4, vm0, $0xb8;
	[tilespmem:$0x10080] =	vst v63  }
0xae: {  	_ = 	snop  }
0xaf: {  	[tilespmem:s16], [sflag:$0x1] =	stream.indirect_vreg.gather [hbm4b:s7+s2], $0x80, v4, vm0, $0xb8;
	[tilespmem:$0x10080] =	vst v63  }
0xb0: {  	_ = 	snop  }
0xb1: {  	[tilespmem:s17], [sflag:$0x1] =	stream.indirect_vreg.gather [hbm4b:s3+s2], $0x80, v3, vm0, $0xb8;
	[tilespmem:$0x10080] =	vst v63  }
0xb2: {  	_ = 	snop  }
0xb3: {  	[tilespmem:s18], [sflag:$0x1] =	stream.indirect_vreg.gather [hbm4b:s5+s2], $0x80, v3, vm0, $0xb8;
	[tilespmem:$0x10080] =	vst v63  }
0xb4: {  	_ = 	snop  }
0xb5: {  	[tilespmem:s10], [sflag:$0x1] =	stream.indirect_vreg.gather [hbm4b:s6+s2], $0x80, v3, vm0, $0xb8;
	[tilespmem:$0x10080] =	vst v63  }
0xb6: {  	s20 =	simm.s32 $0xB880  }
0xb7: {  	[tilespmem:s20], [sflag:$0x1] =	stream.indirect_vreg.gather [hbm4b:s7+s2], $0x80, v3, vm0, $0xb8;
	[tilespmem:$0x10080] =	vst v63  }
0xb8: {  	v3 =	vld [tilespmem:$0x30];
	_ =	sdelay $0x4  }
0xb9: {  	v63 =	vshll.u32 v3, $0x3  }
0xba: {  	v3 =	vand.u32 $0x7, v3;
	v4 =	vand.u32 $0xFFFFFFC0, v63  }
0xbb: {  	v3 =	vor.u32 v3, v4  }
0xbc: {  	v4 =	vperm.xlane v3, v0;
	_ =	sdelay $0x1  }
0xbd: {  	v4 =	vadd.s32 v1, v4;
	_ =	sdelay $0x3  }
0xbe: {  	s20 =	simm.s32 $0xC080  }
0xbf: {  	[tilespmem:s20], [sflag:$0x1] =	stream.indirect_vreg.gather [hbm4b:s3+s2], $0x80, v4, vm0, $0xb8;
	[tilespmem:$0x10080] =	vst v63  }
0xc0: {  	v3 =	vperm.xlane v3, v2;
	s20 =	simm.s32 $0xC880  }
0xc1: {  	[tilespmem:s20], [sflag:$0x1] =	stream.indirect_vreg.gather [hbm4b:s5+s2], $0x80, v4, vm0, $0xb8;
	[tilespmem:$0x10080] =	vst v63  }
0xc2: {  	v3 =	vadd.s32 v1, v3;
	s20 =	simm.s32 $0xD080  }
0xc3: {  	[tilespmem:s20], [sflag:$0x1] =	stream.indirect_vreg.gather [hbm4b:s6+s2], $0x80, v4, vm0, $0xb8;
	[tilespmem:$0x10080] =	vst v63  }
0xc4: {  	s20 =	simm.s32 $0xD880  }
0xc5: {  	[tilespmem:s20], [sflag:$0x1] =	stream.indirect_vreg.gather [hbm4b:s7+s2], $0x80, v4, vm0, $0xb8;
	[tilespmem:$0x10080] =	vst v63  }
0xc6: {  	s20 =	simm.s32 $0xE080  }
0xc7: {  	[tilespmem:s20], [sflag:$0x1] =	stream.indirect_vreg.gather [hbm4b:s3+s2], $0x80, v3, vm0, $0xb8;
	[tilespmem:$0x10080] =	vst v63  }
0xc8: {  	s20 =	simm.s32 $0xE880  }
0xc9: {  	[tilespmem:s20], [sflag:$0x1] =	stream.indirect_vreg.gather [hbm4b:s5+s2], $0x80, v3, vm0, $0xb8;
	[tilespmem:$0x10080] =	vst v63  }
0xca: {  	s20 =	simm.s32 $0xF080  }
0xcb: {  	[tilespmem:s20], [sflag:$0x1] =	stream.indirect_vreg.gather [hbm4b:s6+s2], $0x80, v3, vm0, $0xb8;
	[tilespmem:$0x10080] =	vst v63  }
0xcc: {  	s20 =	simm.s32 $0xF880  }
0xcd: {  	[tilespmem:s20], [sflag:$0x1] =	stream.indirect_vreg.gather [hbm4b:s7+s2], $0x80, v3, vm0, $0xb8;
	[tilespmem:$0x10080] =	vst v63  }
0xce: {  	_ =	swait.ge [sflag:s19], $0x10000  }
0xcf: {  	p0 =	sne.s32 s8, $0x1;
	[sflag:s19] =	ssyncset.done $0x0  }
.Ltmp0:
0xd0: {  	s1 =	rddreg [dreg:$0x5];
	[sflag:s19] =	ssyncadd.s32 $0xFFFF0000;
	(pc) =	sbr.rel @p0 .LBB2_1-.Ltmp0, $4  }
0xd1: {  	[hbm4b:s1+s2] =	stream.linear.scatter [tilespmem:s0], [sflag:$0x2], $0x10000, $0x38;
	[tilespmem:$0x10080] =	vst v63  }
0xd2: {  	_ =	swait.ge [sflag:s9], $0x10000  }
0xd3: {  	[sflag:s9] =	ssyncset.done $0x0  }
0xd4: {  	s8 =	sadd.s32 $0xFFFFFFFF, s8;
	[sflag:s9] =	ssyncadd.s32 $0xFFFF0000  }
0xd5: {  	_ =	sfence.sel $0x180000  }
0xd6: {  	[bflag:$0x0] =	sbarrier.arrive $0xFFFF  }
0xd7: {  	_ =	strace $0x9000004A  }
0xd8: {  	s0 =	stileid.u32;
	[bflag:$0x2] =	sbarrier.arrive $0xFFFF  }
0xd9: {  	p0 =	sne.s32 s0, $0x0;
	s0 =	rddreg [dreg:$0x2]  }
0xda: {  	s0 =	sadd.s32 @!p0 $0x100000, s0  }
0xdb: {  	[sflag:s0] =	ssyncadd.tile.s32 @!p0 $0x1;
	_ =	shalt  }
.Lfunc_end2:
_tile_overlayer_lowered:
.L_overlay_start_2:
0xdc: {  	(tag) =	ssettag $0x2  }
0xdd: {  	s0 =	rddreg [dreg:$0x0];
	s2 =	stileid.u32  }
0xde: {  	s1 =	rddreg [dreg:$0x1];
	p0 =	sne.s32 s2, $0x0  }
0xdf: {  	s3 =	rddreg [dreg:$0x2];
	[bflag:$0x3] =	sbarrier.arrive $0xFFFF;
	s2 =	simm.s32 @!p0 $0x1C02  }
0xe0: {  	[timem:s3], [sflag:s2] =	dma.local @!p0 [hbm:s0], s1  }
0xe1: {  	s0 =	simm.s32 @!p0 $0x2  }
0xe2: {  	_ =	swait.ge @!p0 [sflag:s0], s1  }
0xe3: {  	s1 =	ssub.s32 @!p0 $0x0, s1;
	[sflag:s0] =	ssyncset.done @!p0 $0x0  }
0xe4: {  	[sflag:s0] =	ssyncadd.s32 @!p0 s1  }
0xe5: {  	[bflag:$0x3] =	sbarrier.arrive $0xFFFF  }
0xe6: {  	_ =	shalt  }

// kernel: kernel.8.cloned.1.call-start
scs
__scs_entry_jumppad:
0x0: {  	(pc) =	sbr.rel $0x88, $3  }
0x1: {  	(tag) =	ssettag $0x0;
	lr =	simm.s32 $0x1  }
0x2: {  	[smem:$0x3F9B] =	sst lr;
	_ =	strace $0xD0000000  }
0x3: {  	_ = 	snop  }
0x4: {  	_ = 	snop  }
0x5: {  	_ = 	snop  }
0x6: {  	_ = 	snop  }
0x7: {  	_ = 	snop  }
__scs_overlays_trampoline_lowered:
0x8: {  	[smem:$0x3FAA] =	sst s0  }
0x9: {  	[smem:$0x3FAB] =	sst s1  }
0xa: {  	[smem:$0x3FAC] =	sst s2  }
0xb: {  	[smem:$0x3FAD] =	sst s3  }
0xc: {  	[smem:$0x3FAE] =	sst s4  }
0xd: {  	[smem:$0x3FAF] =	sst s5  }
0xe: {  	[smem:$0x3FB0] =	sst s6  }
0xf: {  	[smem:$0x3FB1] =	sst s7  }
0x10: {  	[smem:$0x3FB2] =	sst s8  }
0x11: {  	[smem:$0x3FB3] =	sst s9;
	s0 =	simm.s32 @!p0 $0x0  }
0x12: {  	s1 =	sld [smem:$0x3F99];
	s0 =	simm.s32 @p0 $0x1  }
0x13: {  	[smem:$0x3FB4] =	sst s0;
	s0 =	simm.s32 @!p1 $0x0  }
0x14: {  	s2 =	sld [smem:$0x3F98];
	s0 =	simm.s32 @p1 $0x1  }
0x15: {  	[smem:$0x3FB5] =	sst s0;
	s0 =	simm.s32 @!p2 $0x0  }
0x16: {  	s3 =	sld [smem:$0x3FDB];
	s0 =	simm.s32 @p2 $0x1  }
0x17: {  	s4 =	simm.s32 $0x1BF5;
	[smem:$0x3FB7] =	sst s0  }
0x18: {  	s0 =	sld [smem:$0x3F9A];
	_ =	swait.ge [sflag:s4], $0x0  }
0x19: {  	s7 =	sld [smem:$0x3F9B]  }
0x1a: {  	s8 =	sadd.s32 $0xFFFFE003, lr  }
0x1b: {  	s9 =	sadd.s32 $0xFFFFFEF7, lr;
	s5 =	simm.s32 $0xFFFFFFFF;
	p2 =	slt.u32 s8, $0xFFFFF086  }
0x1c: {  	p1 =	slt.u32 s9, $0xF7A;
	s5 =	simm.s32 @!p2 $0x0  }
0x1d: {  	s5 =	simm.s32 @p1 $0x1;
	p0 =	seq.s32 s7, s2  }
0x1e: {  	s7 =	smul.u32 @!p0 $0xF7A, s2;
	p2 =	seq.s32 @!p0 s5, $0x0  }
0x1f: {  	s9 =	smul.u32 $0xF7A, s1;
	s8 =	simm.s32 @!p0 $0x1BF5;
	p2 =	por !p2, p0  }
0x20: {  	[sflag:s8] =	ssyncset.s32 @!p0 $0xFFFFF086;
	s6 =	sadd.s32 @!p0 s3, s7;
	s7 =	simm.s32 @!p0 $0x108  }
0x21: {  	s3 =	sadd.s32 s3, s9;
	s6 =	sadd.s32 @!p0 $0x88, s6;
	s7 =	simm.s32 @p2 $0x1082  }
0x22: {  	[simem:s7], [sflag:s8] =	dma.local @!p0 [hbm:s6], $0xF7A  }
0x23: {  	s9 =	sor.u32 $0xD0000000, s2;
	s6 =	simm.s32 $0x108;
	_ =	swait.ge @!p0 [sflag:s8], $0x0  }
0x24: {  	s3 =	sadd.s32 $0x88, s3;
	s6 =	simm.s32 @!p1 $0x1082;
	[sflag:s4] =	ssyncset.s32 $0xFFFFF086  }
0x25: {  	[simem:s6], [sflag:s4] =	dma.local [hbm:s3], $0xF7A  }
0x26: {  	[smem:$0x3F9B] =	sst s1;
	(tag) =	ssettag s2;
	_ =	strace s9  }
0x27: {  	s1 =	sld [smem:$0x3FAB]  }
0x28: {  	s2 =	sld [smem:$0x3FAC]  }
0x29: {  	s4 =	sld [smem:$0x3FAE]  }
0x2a: {  	p0 =	seq.s32 s5, $0x0;
	s5 =	sld [smem:$0x3FAF]  }
0x2b: {  	s6 =	sld [smem:$0x3FB0]  }
0x2c: {  	s7 =	sld [smem:$0x3FB1]  }
0x2d: {  	s3 =	simm.s32 $0x108;
	s8 =	sld [smem:$0x3FB2]  }
0x2e: {  	s3 =	simm.s32 @!p0 $0x1082;
	s9 =	sld [smem:$0x3FB3]  }
0x2f: {  	lr =	sadd.s32 s0, s3;
	s0 =	sld [smem:$0x3FAA]  }
0x30: {  	s3 =	sld [smem:$0x3FAD]  }
0x31: {  	[smem:$0x3FB6] =	sst s10  }
0x32: {  	s10 =	sld [smem:$0x3FB4];
	_ =	sdelay $0x3  }
0x33: {  	p0 =	seq.s32 s10, $0x1;
	s10 =	sld [smem:$0x3FB6];
	_ =	sdelay $0x3  }
0x34: {  	[smem:$0x3FB6] =	sst s10  }
0x35: {  	s10 =	sld [smem:$0x3FB5];
	_ =	sdelay $0x3  }
0x36: {  	p1 =	seq.s32 s10, $0x1;
	s10 =	sld [smem:$0x3FB6];
	_ =	sdelay $0x3  }
0x37: {  	[smem:$0x3FB6] =	sst s10  }
0x38: {  	s10 =	sld [smem:$0x3FB7]  }
0x39: {  	_ = 	snop;
	(pc) =	sbr.ind lr, $3  }
0x3a: {  	_ = 	snop  }
0x3b: {  	_ = 	snop  }
0x3c: {  	p2 =	seq.s32 s10, $0x1;
	s10 =	sld [smem:$0x3FB6]  }
0x3d: {  	_ =	shalt  }
0x3e: {  	_ =	shalt  }
0x3f: {  	_ =	shalt  }
0x40: {  	_ =	shalt  }
0x41: {  	_ =	shalt  }
0x42: {  	_ =	shalt  }
0x43: {  	_ =	shalt  }
0x44: {  	_ =	shalt  }
0x45: {  	_ =	shalt  }
0x46: {  	_ =	shalt  }
0x47: {  	_ =	shalt  }
0x48: {  	_ =	shalt  }
0x49: {  	_ =	shalt  }
0x4a: {  	_ =	shalt  }
0x4b: {  	_ =	shalt  }
0x4c: {  	_ =	shalt  }
0x4d: {  	_ =	shalt  }
0x4e: {  	_ =	shalt  }
0x4f: {  	_ =	shalt  }
0x50: {  	_ =	shalt  }
0x51: {  	_ =	shalt  }
0x52: {  	_ =	shalt  }
0x53: {  	_ =	shalt  }
0x54: {  	_ =	shalt  }
0x55: {  	_ =	shalt  }
0x56: {  	_ =	shalt  }
0x57: {  	_ =	shalt  }
0x58: {  	_ =	shalt  }
0x59: {  	_ =	shalt  }
0x5a: {  	_ =	shalt  }
0x5b: {  	_ =	shalt  }
0x5c: {  	_ =	shalt  }
0x5d: {  	_ =	shalt  }
0x5e: {  	_ =	shalt  }
0x5f: {  	_ =	shalt  }
0x60: {  	_ =	shalt  }
0x61: {  	_ =	shalt  }
0x62: {  	_ =	shalt  }
0x63: {  	_ =	shalt  }
0x64: {  	_ =	shalt  }
0x65: {  	_ =	shalt  }
0x66: {  	_ =	shalt  }
0x67: {  	_ =	shalt  }
0x68: {  	_ =	shalt  }
0x69: {  	_ =	shalt  }
0x6a: {  	_ =	shalt  }
0x6b: {  	_ =	shalt  }
0x6c: {  	_ =	shalt  }
0x6d: {  	_ =	shalt  }
0x6e: {  	_ =	shalt  }
0x6f: {  	_ =	shalt  }
0x70: {  	_ =	shalt  }
0x71: {  	_ =	shalt  }
0x72: {  	_ =	shalt  }
0x73: {  	_ =	shalt  }
0x74: {  	_ =	shalt  }
0x75: {  	_ =	shalt  }
0x76: {  	_ =	shalt  }
0x77: {  	_ =	shalt  }
0x78: {  	_ =	shalt  }
0x79: {  	_ =	shalt  }
0x7a: {  	_ =	shalt  }
0x7b: {  	_ =	shalt  }
0x7c: {  	_ =	shalt  }
0x7d: {  	_ =	shalt  }
0x7e: {  	_ =	shalt  }
0x7f: {  	_ =	shalt  }
0x80: {  	_ =	shalt  }
0x81: {  	_ =	shalt  }
0x82: {  	_ =	shalt  }
0x83: {  	_ =	shalt  }
0x84: {  	_ =	shalt  }
0x85: {  	_ =	shalt  }
0x86: {  	_ =	shalt  }
0x87: {  	_ =	shalt  }
.Lfunc_end0:
.L_simem_size_0:
called_computation_lowered:
.L_overlay_start_0:
0x88: {  	s2 =	sld [smem:$0x3FD9]  }
0x89: {  	s3 =	sld [smem:$0x3FFE];
	_ =	sdelay $0x1  }
0x8a: {  	s1 =	srdreg.scid  }
0x8b: {  	s0 =	sand.u32 $0x1, s1  }
0x8c: {  	s17 =	sshll.u32 s0, $0xA;
	s2 =	sadd.s32 s3, s2  }
0x8d: {  	s2 =	sadd.s32 s2, s17  }
0x8e: {  	[smem:$0x3FC2] =	sst s2  }
0x8f: {  	_ = 	snop  }
0x90: {  	s2 =	sld [smem:$0x3FC9]  }
0x91: {  	s18 =	sld [smem:$0x3FD0];
	(tm) =	ssettm $0x1  }
0x92: {  	s4 =	sld [smem:$0x3FFB];
	_ =	sdelay $0x3  }
0x93: {  	_ =	strace s4  }
0x94: {  	s4 =	sld [smem:$0x3FFC];
	_ =	sdelay $0x3  }
0x95: {  	_ =	strace s4  }
0x96: {  	s4 =	sld [smem:$0x3FFD];
	_ =	sdelay $0x3  }
0x97: {  	_ =	strace s4  }
0x98: {  	_ =	strace $0x8FFFFFFF  }
0x99: {  	s19 =	sld [smem:$0x3FDB];
	_ =	sdelay $0x1  }
0x9a: {  	s5 =	simm.s32 $_scs_section_size  }
0x9b: {  	s6 =	simm.s32 $_size__tile_overlayer_lowered;
	s7 =	simm.s32 $_tile_overlayer_lowered  }
0x9c: {  	s22 =	simm.s32 $0x1BFF;
	s21 =	sshll.u32 s7, $0x1;
	s4 =	sadd.s32 s5, s19  }
0x9d: {  	s8 =	simm.s32 $0x0;
	s20 =	sshll.u32 s6, $0x1;
	s6 =	sadd.s32 s21, s4  }
0x9e: {  	[timem:s8], [sflag:s22] =	dma.local [hbm:s6], s20  }
0x9f: {  	_ =	swait.ge [sflag:s22], s20  }
0xa0: {  	s5 =	ssub.s32 $0x0, s20;
	[sflag:s22] =	ssyncset.done $0x0  }
0xa1: {  	[sflag:s22] =	ssyncadd.s32 s5;
	_ =	sdelay $0x1  }
0xa2: {  	s23 =	simm.s32 $0x1B8B  }
0xa3: {  	_ =	swait.ge [sflag:s23], $0x1  }
0xa4: {  	[sflag:s23] =	ssyncset.done $0x0  }
0xa5: {  	s25 =	simm.s32 $0x1B8E;
	s24 =	sld [smem:$0x3FFE];
	[sflag:s23] =	ssyncadd.s32 $0xFFFFFFFF  }
0xa6: {  	s26 =	simm.s32 $execute0_lowered;
	[smem:$0x3FD2] =	sst s25  }
0xa7: {  	s6 =	sshll.u32 s26, $0x1;
	_ =	strace $0x80000046;
	[dreg:$0x1] =	wrdreg $0xFFFFFFFF  }
0xa8: {  	s28 =	simm.s32 $_size_execute0_lowered;
	s4 =	sadd.s32 s4, s6;
	[dreg:$0x0] =	wrdreg $0x0  }
0xa9: {  	s6 =	sshll.u32 s28, $0x1;
	[dreg:$0x2] =	wrdreg s4  }
0xaa: {  	[dreg:$0x3] =	wrdreg s6  }
0xab: {  	[dreg:$0x4] =	wrdreg $0xC0  }
0xac: {  	_ =	task [dreg:s8], $0x5FFFF  }
0xad: {  	[dreg:$0x1] =	wrdreg $0xFFFFFFFF  }
0xae: {  	[dreg:$0x0] =	wrdreg $0x60  }
0xaf: {  	[dreg:$0x2] =	wrdreg s2  }
0xb0: {  	[dreg:$0x3] =	wrdreg s18  }
0xb1: {  	[dreg:$0x4] =	wrdreg s24  }
0xb2: {  	[dreg:$0x5] =	wrdreg $0x9  }
0xb3: {  	_ =	task.clear_ibuf [dreg:s8], $0x6FFFF;
	_ =	strace $0x90000046  }
0xb4: {  	s29 =	simm.s32 $0x9;
	_ =	strace $0x80000048  }
0xb5: {  	_ =	swait.ge [sflag:s29], $0x1  }
0xb6: {  	[sflag:s29] =	ssyncadd.s32 $0xFFFFFFFF  }
0xb7: {  	_ =	strace $0x90000048  }
0xb8: {  	_ =	sfence  }
0xb9: {  	s30 =	sld [smem:$0x0];
	_ =	sdelay $0x2  }
0xba: {  	s31 =	sshll.u32 s1, $0xD;
	s1 =	sshrl.u32 s1, $0x2  }
0xbb: {  	s3 =	sand.u32 $0x4000, s31;
	s1 =	sadd.s32 s1, s30  }
0xbc: {  	s0 =	sor.u32 s3, s0;
	s1 =	sshll.u32 s1, $0x11  }
0xbd: {  	s0 =	sor.u32 s1, s0  }
0xbe: {  	s0 =	sadd.s32 $0x8F2B, s0  }
0xbf: {  	[sflag:s0] =	ssyncadd.remote.s32 $0x1  }
0xc0: {  	_ =	sfence.sel $0xFFFF  }
0xc1: {  	[dreg:$0x0] =	wrdreg $0xFFFFFFFF;
	(pc) =	sbr.abs _section_cstart, $3  }
0xc2: {  	[dreg:$0x1] =	wrdreg $0xFFFFFFFF  }
0xc3: {  	_ =	task.clear_ibuf [dreg:s8], $0x2FFFF;
	_ =	strace $0x9FFFFFFF  }
0xc4: {  	(tm) =	ssettm $0x7FFFFFFF  }
0xc5: {  	_ =	shalt  }
tec
execute0_lowered:
.L_overlay_start_1:
0x0: {  	(tag) =	ssettag $0x1  }
0x1: {  	s0 =	rddreg [dreg:$0x0]  }
0x2: {  	s1 =	srdreg.scid;
	s4 =	rddreg [dreg:$0x1]  }
0x3: {  	s2 =	stileid.u32;
	s7 =	rddreg [dreg:$0x2]  }
0x4: {  	s26 =	simm.s32 $0x80;
	s9 =	simm.s32 $0x2;
	s19 =	simm.s32 $0x1  }
0x5: {  	s22 =	simm.s32 $0x1900;
	s23 =	simm.s32 $0x2100;
	s24 =	simm.s32 $0x2900  }
0x6: {  	s28 =	simm.s32 $0x4100;
	s29 =	simm.s32 $0x4900;
	s30 =	simm.s32 $0x5100  }
0x7: {  	s31 =	simm.s32 $0x5900;
	s11 =	simm.s32 $0x7900;
	s12 =	simm.s32 $0x8100  }
0x8: {  	s13 =	simm.s32 $0x8900;
	s14 =	simm.s32 $0x9100;
	s15 =	simm.s32 $0x9900  }
0x9: {  	s16 =	simm.s32 $0xA100;
	s17 =	simm.s32 $0xA900;
	s18 =	simm.s32 $0xB100  }
0xa: {  	s1 =	sand.u32 $0x1, s1;
	s3 =	sshll.u32 s2, $0x7;
	s2 =	simm.s32 $0x0  }
0xb: {  	s10 =	simm.s32 $0xB900;
	s5 =	sshll.u32 s1, $0x6;
	[smem:$0x7FF] =	sst s2  }
0xc: {  	s1 =	ssub.s32 $0x2, s1;
	s5 =	sor.u32 s5, s3;
	_ =	strace $0x80000047  }
0xd: {  	s3 =	sadd.s32 $0x1400, s7;
	s25 =	sshrl.u32 s1, $0x1;
	[dreg:$0x6] =	wrdreg s26  }
0xe: {  	s26 =	simm.s32 $0x3900;
	s6 =	sshrl.u32 s5, $0x3;
	s5 =	sshll.u32 s5, $0x7  }
0xf: {  	s1 =	ssub.s32 s1, s25;
	s25 =	simm.s32 $0x3100;
	s4 =	sadd.s32 s4, s6  }
0x10: {  	v2 =	vlaneseq.u32;
	s0 =	sadd.s32 s0, s5;
	s5 =	sadd.s32 $0x1500, s7;
	[dreg:$0x7] =	wrdreg s4  }
0x11: {  	vm0 =	vmmov $0xffff;
	v1 =	vshrl.u32 v2, $0x3;
	s6 =	sadd.s32 $0x1600, s7;
	s4 =	sadd.s32 $0x100, s4;
	[dreg:$0x5] =	wrdreg s0  }
0x12: {  	v0 =	vand.u32 $0x7, v2;
	v2 =	vor.u32 $0x8, v2;
	v1 =	vmul.u32 $0x8, v1;
	s7 =	sadd.s32 $0x1700, s7;
	s8 =	smax.u32 s1, $0x1;
	[dreg:$0x4] =	wrdreg s4  }
.LBB2_1:
0x13: {  	s20 =	rddreg [dreg:$0x7]  }
0x14: {  	[tilespmem:s2], [sflag:$0x2] =	stream.linear.gather [hbm4b:s20+s2], $0x40, $0x38;
	[tilespmem:$0x10100] =	vst v63  }
0x15: {  	_ =	swait.ge [sflag:s9], $0x40  }
0x16: {  	s1 =	rddreg [dreg:$0x4];
	[sflag:s9] =	ssyncset.done $0x0  }
0x17: {  	s21 =	rddreg [dreg:$0x6];
	[sflag:s9] =	ssyncadd.s32 $0xFFFFFFC0  }
0x18: {  	[tilespmem:s21], [sflag:$0x2] =	stream.linear.gather [hbm4b:s1+s2], $0x40, $0x38;
	[tilespmem:$0x10100] =	vst v63  }
0x19: {  	_ =	swait.ge [sflag:s9], $0x40  }
0x1a: {  	[sflag:s9] =	ssyncset.done $0x0  }
0x1b: {  	s0 =	simm.s32 $0x100;
	s4 =	rddreg [dreg:$0x5];
	[sflag:s9] =	ssyncadd.s32 $0xFFFFFFC0  }
0x1c: {  	[tilespmem:s0], [sflag:$0x2] =	stream.linear.gather [hbm4b:s4+s2], $0x10000, $0x38;
	[tilespmem:$0x10100] =	vst v63  }
0x1d: {  	_ =	swait.ge [sflag:s9], $0x10000  }
0x1e: {  	[sflag:s9] =	ssyncset.done $0x0  }
0x1f: {  	[sflag:s9] =	ssyncadd.s32 $0xFFFF0000  }
0x20: {  	v3 =	vld [tilespmem:$0x0];
	_ =	sdelay $0x4  }
0x21: {  	v4 =	vshll.u32 v3, $0x3  }
0x22: {  	v3 =	vand.u32 $0x7, v3;
	v4 =	vand.u32 $0xFFFFFFC0, v4  }
0x23: {  	v3 =	vor.u32 v3, v4  }
0x24: {  	v4 =	vperm.xlane v3, v0;
	_ =	sdelay $0x1  }
0x25: {  	v4 =	vadd.s32 v1, v4;
	_ =	sdelay $0x4  }
0x26: {  	[hbm4b:s3+s2] =	stream.indirect_vreg.scatter [tilespmem:s0], [sflag:$0x1], $0x80, v4, vm0, $0xb8;
	[tilespmem:$0x10100] =	vst v63  }
0x27: {  	s20 =	simm.s32 $0x900;
	v3 =	vperm.xlane v3, v2  }
0x28: {  	[hbm4b:s5+s2] =	stream.indirect_vreg.scatter [tilespmem:s20], [sflag:$0x1], $0x80, v4, vm0, $0xb8;
	[tilespmem:$0x10100] =	vst v63  }
0x29: {  	s21 =	simm.s32 $0x1100;
	v3 =	vadd.s32 v1, v3  }
0x2a: {  	[hbm4b:s6+s2] =	stream.indirect_vreg.scatter [tilespmem:s21], [sflag:$0x1], $0x80, v4, vm0, $0xb8;
	[tilespmem:$0x10100] =	vst v63  }
0x2b: {  	_ = 	snop  }
0x2c: {  	[hbm4b:s7+s2] =	stream.indirect_vreg.scatter [tilespmem:s22], [sflag:$0x1], $0x80, v4, vm0, $0xb8;
	[tilespmem:$0x10100] =	vst v63  }
0x2d: {  	_ = 	snop  }
0x2e: {  	[hbm4b:s3+s2] =	stream.indirect_vreg.scatter [tilespmem:s23], [sflag:$0x1], $0x80, v3, vm0, $0xb8;
	[tilespmem:$0x10100] =	vst v63  }
0x2f: {  	_ = 	snop  }
0x30: {  	[hbm4b:s5+s2] =	stream.indirect_vreg.scatter [tilespmem:s24], [sflag:$0x1], $0x80, v3, vm0, $0xb8;
	[tilespmem:$0x10100] =	vst v63  }
0x31: {  	_ = 	snop  }
0x32: {  	[hbm4b:s6+s2] =	stream.indirect_vreg.scatter [tilespmem:s25], [sflag:$0x1], $0x80, v3, vm0, $0xb8;
	[tilespmem:$0x10100] =	vst v63  }
0x33: {  	_ = 	snop  }
0x34: {  	[hbm4b:s7+s2] =	stream.indirect_vreg.scatter [tilespmem:s26], [sflag:$0x1], $0x80, v3, vm0, $0xb8;
	[tilespmem:$0x10100] =	vst v63  }
0x35: {  	v3 =	vld [tilespmem:$0x10];
	_ =	sdelay $0x4  }
0x36: {  	v57 =	vshll.u32 v3, $0x3  }
0x37: {  	v3 =	vand.u32 $0x7, v3;
	v4 =	vand.u32 $0xFFFFFFC0, v57  }
0x38: {  	v3 =	vor.u32 v3, v4  }
0x39: {  	v4 =	vperm.xlane v3, v0;
	_ =	sdelay $0x1  }
0x3a: {  	v4 =	vadd.s32 v1, v4;
	_ =	sdelay $0x4  }
0x3b: {  	[hbm4b:s3+s2] =	stream.indirect_vreg.scatter [tilespmem:s28], [sflag:$0x1], $0x80, v4, vm0, $0xb8;
	[tilespmem:$0x10100] =	vst v63  }
0x3c: {  	v3 =	vperm.xlane v3, v2  }
0x3d: {  	[hbm4b:s5+s2] =	stream.indirect_vreg.scatter [tilespmem:s29], [sflag:$0x1], $0x80, v4, vm0, $0xb8;
	[tilespmem:$0x10100] =	vst v63  }
0x3e: {  	v3 =	vadd.s32 v1, v3  }
0x3f: {  	[hbm4b:s6+s2] =	stream.indirect_vreg.scatter [tilespmem:s30], [sflag:$0x1], $0x80, v4, vm0, $0xb8;
	[tilespmem:$0x10100] =	vst v63  }
0x40: {  	_ = 	snop  }
0x41: {  	[hbm4b:s7+s2] =	stream.indirect_vreg.scatter [tilespmem:s31], [sflag:$0x1], $0x80, v4, vm0, $0xb8;
	[tilespmem:$0x10100] =	vst v63  }
0x42: {  	s1 =	simm.s32 $0x6100  }
0x43: {  	[hbm4b:s3+s2] =	stream.indirect_vreg.scatter [tilespmem:s1], [sflag:$0x1], $0x80, v3, vm0, $0xb8;
	[tilespmem:$0x10100] =	vst v63  }
0x44: {  	s4 =	simm.s32 $0x6900  }
0x45: {  	[hbm4b:s5+s2] =	stream.indirect_vreg.scatter [tilespmem:s4], [sflag:$0x1], $0x80, v3, vm0, $0xb8;
	[tilespmem:$0x10100] =	vst v63  }
0x46: {  	s4 =	simm.s32 $0x7100  }
0x47: {  	[hbm4b:s6+s2] =	stream.indirect_vreg.scatter [tilespmem:s4], [sflag:$0x1], $0x80, v3, vm0, $0xb8;
	[tilespmem:$0x10100] =	vst v63  }
0x48: {  	_ = 	snop  }
0x49: {  	[hbm4b:s7+s2] =	stream.indirect_vreg.scatter [tilespmem:s11], [sflag:$0x1], $0x80, v3, vm0, $0xb8;
	[tilespmem:$0x10100] =	vst v63  }
0x4a: {  	v3 =	vld [tilespmem:$0x20];
	_ =	sdelay $0x4  }
0x4b: {  	v58 =	vshll.u32 v3, $0x3  }
0x4c: {  	v3 =	vand.u32 $0x7, v3;
	v4 =	vand.u32 $0xFFFFFFC0, v58  }
0x4d: {  	v3 =	vor.u32 v3, v4  }
0x4e: {  	v4 =	vperm.xlane v3, v0;
	_ =	sdelay $0x1  }
0x4f: {  	v4 =	vadd.s32 v1, v4;
	_ =	sdelay $0x4  }
0x50: {  	[hbm4b:s3+s2] =	stream.indirect_vreg.scatter [tilespmem:s12], [sflag:$0x1], $0x80, v4, vm0, $0xb8;
	[tilespmem:$0x10100] =	vst v63  }
0x51: {  	v3 =	vperm.xlane v3, v2  }
0x52: {  	[hbm4b:s5+s2] =	stream.indirect_vreg.scatter [tilespmem:s13], [sflag:$0x1], $0x80, v4, vm0, $0xb8;
	[tilespmem:$0x10100] =	vst v63  }
0x53: {  	v3 =	vadd.s32 v1, v3  }
0x54: {  	[hbm4b:s6+s2] =	stream.indirect_vreg.scatter [tilespmem:s14], [sflag:$0x1], $0x80, v4, vm0, $0xb8;
	[tilespmem:$0x10100] =	vst v63  }
0x55: {  	_ = 	snop  }
0x56: {  	[hbm4b:s7+s2] =	stream.indirect_vreg.scatter [tilespmem:s15], [sflag:$0x1], $0x80, v4, vm0, $0xb8;
	[tilespmem:$0x10100] =	vst v63  }
0x57: {  	_ = 	snop  }
0x58: {  	[hbm4b:s3+s2] =	stream.indirect_vreg.scatter [tilespmem:s16], [sflag:$0x1], $0x80, v3, vm0, $0xb8;
	[tilespmem:$0x10100] =	vst v63  }
0x59: {  	_ = 	snop  }
0x5a: {  	[hbm4b:s5+s2] =	stream.indirect_vreg.scatter [tilespmem:s17], [sflag:$0x1], $0x80, v3, vm0, $0xb8;
	[tilespmem:$0x10100] =	vst v63  }
0x5b: {  	_ = 	snop  }
0x5c: {  	[hbm4b:s6+s2] =	stream.indirect_vreg.scatter [tilespmem:s18], [sflag:$0x1], $0x80, v3, vm0, $0xb8;
	[tilespmem:$0x10100] =	vst v63  }
0x5d: {  	_ = 	snop  }
0x5e: {  	[hbm4b:s7+s2] =	stream.indirect_vreg.scatter [tilespmem:s10], [sflag:$0x1], $0x80, v3, vm0, $0xb8;
	[tilespmem:$0x10100] =	vst v63  }
0x5f: {  	v3 =	vld [tilespmem:$0x30];
	_ =	sdelay $0x4  }
0x60: {  	v59 =	vshll.u32 v3, $0x3  }
0x61: {  	v3 =	vand.u32 $0x7, v3;
	v4 =	vand.u32 $0xFFFFFFC0, v59  }
0x62: {  	v3 =	vor.u32 v3, v4  }
0x63: {  	v4 =	vperm.xlane v3, v0;
	_ =	sdelay $0x1  }
0x64: {  	v4 =	vadd.s32 v1, v4;
	_ =	sdelay $0x3  }
0x65: {  	s1 =	simm.s32 $0xC100  }
0x66: {  	[hbm4b:s3+s2] =	stream.indirect_vreg.scatter [tilespmem:s1], [sflag:$0x1], $0x80, v4, vm0, $0xb8;
	[tilespmem:$0x10100] =	vst v63  }
0x67: {  	v3 =	vperm.xlane v3, v2;
	s1 =	simm.s32 $0xC900  }
0x68: {  	[hbm4b:s5+s2] =	stream.indirect_vreg.scatter [tilespmem:s1], [sflag:$0x1], $0x80, v4, vm0, $0xb8;
	[tilespmem:$0x10100] =	vst v63  }
0x69: {  	v3 =	vadd.s32 v1, v3;
	s1 =	simm.s32 $0xD100  }
0x6a: {  	[hbm4b:s6+s2] =	stream.indirect_vreg.scatter [tilespmem:s1], [sflag:$0x1], $0x80, v4, vm0, $0xb8;
	[tilespmem:$0x10100] =	vst v63  }
0x6b: {  	s1 =	simm.s32 $0xD900  }
0x6c: {  	[hbm4b:s7+s2] =	stream.indirect_vreg.scatter [tilespmem:s1], [sflag:$0x1], $0x80, v4, vm0, $0xb8;
	[tilespmem:$0x10100] =	vst v63  }
0x6d: {  	s1 =	simm.s32 $0xE100  }
0x6e: {  	[hbm4b:s3+s2] =	stream.indirect_vreg.scatter [tilespmem:s1], [sflag:$0x1], $0x80, v3, vm0, $0xb8;
	[tilespmem:$0x10100] =	vst v63  }
0x6f: {  	s1 =	simm.s32 $0xE900  }
0x70: {  	[hbm4b:s5+s2] =	stream.indirect_vreg.scatter [tilespmem:s1], [sflag:$0x1], $0x80, v3, vm0, $0xb8;
	[tilespmem:$0x10100] =	vst v63  }
0x71: {  	s1 =	simm.s32 $0xF100  }
0x72: {  	[hbm4b:s6+s2] =	stream.indirect_vreg.scatter [tilespmem:s1], [sflag:$0x1], $0x80, v3, vm0, $0xb8;
	[tilespmem:$0x10100] =	vst v63  }
0x73: {  	s1 =	simm.s32 $0xF900  }
0x74: {  	[hbm4b:s7+s2] =	stream.indirect_vreg.scatter [tilespmem:s1], [sflag:$0x1], $0x80, v3, vm0, $0xb8;
	[tilespmem:$0x10100] =	vst v63  }
0x75: {  	_ =	swait.ge [sflag:s19], $0x10000  }
0x76: {  	[sflag:s19] =	ssyncset.done $0x0  }
0x77: {  	[sflag:s19] =	ssyncadd.s32 $0xFFFF0000  }
0x78: {  	v3 =	vld [tilespmem:$0x80];
	_ =	sdelay $0x4  }
0x79: {  	v60 =	vshll.u32 v3, $0x3  }
0x7a: {  	v3 =	vand.u32 $0x7, v3;
	v4 =	vand.u32 $0xFFFFFFC0, v60  }
0x7b: {  	v3 =	vor.u32 v3, v4  }
0x7c: {  	v4 =	vperm.xlane v3, v0;
	_ =	sdelay $0x1  }
0x7d: {  	v4 =	vadd.s32 v1, v4;
	_ =	sdelay $0x4  }
0x7e: {  	[hbm4b:s3+s2] =	stream.indirect_vreg.scatter [tilespmem:s0], [sflag:$0x1], $0x80, v4, vm0, $0xb8;
	[tilespmem:$0x10100] =	vst v63  }
0x7f: {  	v3 =	vperm.xlane v3, v2  }
0x80: {  	[hbm4b:s5+s2] =	stream.indirect_vreg.scatter [tilespmem:s20], [sflag:$0x1], $0x80, v4, vm0, $0xb8;
	[tilespmem:$0x10100] =	vst v63  }
0x81: {  	v3 =	vadd.s32 v1, v3  }
0x82: {  	[hbm4b:s6+s2] =	stream.indirect_vreg.scatter [tilespmem:s21], [sflag:$0x1], $0x80, v4, vm0, $0xb8;
	[tilespmem:$0x10100] =	vst v63  }
0x83: {  	_ = 	snop  }
0x84: {  	[hbm4b:s7+s2] =	stream.indirect_vreg.scatter [tilespmem:s22], [sflag:$0x1], $0x80, v4, vm0, $0xb8;
	[tilespmem:$0x10100] =	vst v63  }
0x85: {  	_ = 	snop  }
0x86: {  	[hbm4b:s3+s2] =	stream.indirect_vreg.scatter [tilespmem:s23], [sflag:$0x1], $0x80, v3, vm0, $0xb8;
	[tilespmem:$0x10100] =	vst v63  }
0x87: {  	_ = 	snop  }
0x88: {  	[hbm4b:s5+s2] =	stream.indirect_vreg.scatter [tilespmem:s24], [sflag:$0x1], $0x80, v3, vm0, $0xb8;
	[tilespmem:$0x10100] =	vst v63  }
0x89: {  	_ = 	snop  }
0x8a: {  	[hbm4b:s6+s2] =	stream.indirect_vreg.scatter [tilespmem:s25], [sflag:$0x1], $0x80, v3, vm0, $0xb8;
	[tilespmem:$0x10100] =	vst v63  }
0x8b: {  	_ = 	snop  }
0x8c: {  	[hbm4b:s7+s2] =	stream.indirect_vreg.scatter [tilespmem:s26], [sflag:$0x1], $0x80, v3, vm0, $0xb8;
	[tilespmem:$0x10100] =	vst v63  }
0x8d: {  	v3 =	vld [tilespmem:$0x90];
	_ =	sdelay $0x4  }
0x8e: {  	v61 =	vshll.u32 v3, $0x3  }
0x8f: {  	v3 =	vand.u32 $0x7, v3;
	v4 =	vand.u32 $0xFFFFFFC0, v61  }
0x90: {  	v3 =	vor.u32 v3, v4  }
0x91: {  	v4 =	vperm.xlane v3, v0;
	_ =	sdelay $0x1  }
0x92: {  	v4 =	vadd.s32 v1, v4;
	_ =	sdelay $0x4  }
0x93: {  	[hbm4b:s3+s2] =	stream.indirect_vreg.scatter [tilespmem:s28], [sflag:$0x1], $0x80, v4, vm0, $0xb8;
	[tilespmem:$0x10100] =	vst v63  }
0x94: {  	v3 =	vperm.xlane v3, v2  }
0x95: {  	[hbm4b:s5+s2] =	stream.indirect_vreg.scatter [tilespmem:s29], [sflag:$0x1], $0x80, v4, vm0, $0xb8;
	[tilespmem:$0x10100] =	vst v63  }
0x96: {  	v3 =	vadd.s32 v1, v3  }
0x97: {  	[hbm4b:s6+s2] =	stream.indirect_vreg.scatter [tilespmem:s30], [sflag:$0x1], $0x80, v4, vm0, $0xb8;
	[tilespmem:$0x10100] =	vst v63  }
0x98: {  	_ = 	snop  }
0x99: {  	[hbm4b:s7+s2] =	stream.indirect_vreg.scatter [tilespmem:s31], [sflag:$0x1], $0x80, v4, vm0, $0xb8;
	[tilespmem:$0x10100] =	vst v63  }
0x9a: {  	s21 =	simm.s32 $0x6100  }
0x9b: {  	[hbm4b:s3+s2] =	stream.indirect_vreg.scatter [tilespmem:s21], [sflag:$0x1], $0x80, v3, vm0, $0xb8;
	[tilespmem:$0x10100] =	vst v63  }
0x9c: {  	s20 =	simm.s32 $0x6900  }
0x9d: {  	[hbm4b:s5+s2] =	stream.indirect_vreg.scatter [tilespmem:s20], [sflag:$0x1], $0x80, v3, vm0, $0xb8;
	[tilespmem:$0x10100] =	vst v63  }
0x9e: {  	_ = 	snop  }
0x9f: {  	[hbm4b:s6+s2] =	stream.indirect_vreg.scatter [tilespmem:s4], [sflag:$0x1], $0x80, v3, vm0, $0xb8;
	[tilespmem:$0x10100] =	vst v63  }
0xa0: {  	_ = 	snop  }
0xa1: {  	[hbm4b:s7+s2] =	stream.indirect_vreg.scatter [tilespmem:s11], [sflag:$0x1], $0x80, v3, vm0, $0xb8;
	[tilespmem:$0x10100] =	vst v63  }
0xa2: {  	v3 =	vld [tilespmem:$0xA0];
	_ =	sdelay $0x4  }
0xa3: {  	v62 =	vshll.u32 v3, $0x3  }
0xa4: {  	v3 =	vand.u32 $0x7, v3;
	v4 =	vand.u32 $0xFFFFFFC0, v62  }
0xa5: {  	v3 =	vor.u32 v3, v4  }
0xa6: {  	v4 =	vperm.xlane v3, v0;
	_ =	sdelay $0x1  }
0xa7: {  	v4 =	vadd.s32 v1, v4;
	_ =	sdelay $0x4  }
0xa8: {  	[hbm4b:s3+s2] =	stream.indirect_vreg.scatter [tilespmem:s12], [sflag:$0x1], $0x80, v4, vm0, $0xb8;
	[tilespmem:$0x10100] =	vst v63  }
0xa9: {  	v3 =	vperm.xlane v3, v2  }
0xaa: {  	[hbm4b:s5+s2] =	stream.indirect_vreg.scatter [tilespmem:s13], [sflag:$0x1], $0x80, v4, vm0, $0xb8;
	[tilespmem:$0x10100] =	vst v63  }
0xab: {  	v3 =	vadd.s32 v1, v3  }
0xac: {  	[hbm4b:s6+s2] =	stream.indirect_vreg.scatter [tilespmem:s14], [sflag:$0x1], $0x80, v4, vm0, $0xb8;
	[tilespmem:$0x10100] =	vst v63  }
0xad: {  	_ = 	snop  }
0xae: {  	[hbm4b:s7+s2] =	stream.indirect_vreg.scatter [tilespmem:s15], [sflag:$0x1], $0x80, v4, vm0, $0xb8;
	[tilespmem:$0x10100] =	vst v63  }
0xaf: {  	_ = 	snop  }
0xb0: {  	[hbm4b:s3+s2] =	stream.indirect_vreg.scatter [tilespmem:s16], [sflag:$0x1], $0x80, v3, vm0, $0xb8;
	[tilespmem:$0x10100] =	vst v63  }
0xb1: {  	_ = 	snop  }
0xb2: {  	[hbm4b:s5+s2] =	stream.indirect_vreg.scatter [tilespmem:s17], [sflag:$0x1], $0x80, v3, vm0, $0xb8;
	[tilespmem:$0x10100] =	vst v63  }
0xb3: {  	_ = 	snop  }
0xb4: {  	[hbm4b:s6+s2] =	stream.indirect_vreg.scatter [tilespmem:s18], [sflag:$0x1], $0x80, v3, vm0, $0xb8;
	[tilespmem:$0x10100] =	vst v63  }
0xb5: {  	_ = 	snop  }
0xb6: {  	[hbm4b:s7+s2] =	stream.indirect_vreg.scatter [tilespmem:s10], [sflag:$0x1], $0x80, v3, vm0, $0xb8;
	[tilespmem:$0x10100] =	vst v63  }
0xb7: {  	v3 =	vld [tilespmem:$0xB0];
	_ =	sdelay $0x4  }
0xb8: {  	v63 =	vshll.u32 v3, $0x3  }
0xb9: {  	v3 =	vand.u32 $0x7, v3;
	v4 =	vand.u32 $0xFFFFFFC0, v63  }
0xba: {  	v3 =	vor.u32 v3, v4  }
0xbb: {  	v4 =	vperm.xlane v3, v0;
	_ =	sdelay $0x1  }
0xbc: {  	v4 =	vadd.s32 v1, v4;
	_ =	sdelay $0x3  }
0xbd: {  	s21 =	simm.s32 $0xC100  }
0xbe: {  	[hbm4b:s3+s2] =	stream.indirect_vreg.scatter [tilespmem:s21], [sflag:$0x1], $0x80, v4, vm0, $0xb8;
	[tilespmem:$0x10100] =	vst v63  }
0xbf: {  	s4 =	simm.s32 $0xC900;
	v3 =	vperm.xlane v3, v2  }
0xc0: {  	[hbm4b:s5+s2] =	stream.indirect_vreg.scatter [tilespmem:s4], [sflag:$0x1], $0x80, v4, vm0, $0xb8;
	[tilespmem:$0x10100] =	vst v63  }
0xc1: {  	s20 =	simm.s32 $0xD100;
	v3 =	vadd.s32 v1, v3  }
0xc2: {  	[hbm4b:s6+s2] =	stream.indirect_vreg.scatter [tilespmem:s20], [sflag:$0x1], $0x80, v4, vm0, $0xb8;
	[tilespmem:$0x10100] =	vst v63  }
0xc3: {  	s21 =	simm.s32 $0xD900  }
0xc4: {  	[hbm4b:s7+s2] =	stream.indirect_vreg.scatter [tilespmem:s21], [sflag:$0x1], $0x80, v4, vm0, $0xb8;
	[tilespmem:$0x10100] =	vst v63  }
0xc5: {  	s4 =	simm.s32 $0xE100  }
0xc6: {  	[hbm4b:s3+s2] =	stream.indirect_vreg.scatter [tilespmem:s4], [sflag:$0x1], $0x80, v3, vm0, $0xb8;
	[tilespmem:$0x10100] =	vst v63  }
0xc7: {  	s20 =	simm.s32 $0xE900  }
0xc8: {  	[hbm4b:s5+s2] =	stream.indirect_vreg.scatter [tilespmem:s20], [sflag:$0x1], $0x80, v3, vm0, $0xb8;
	[tilespmem:$0x10100] =	vst v63  }
0xc9: {  	p0 =	sne.s32 s8, $0x1;
	s21 =	simm.s32 $0xF100  }
0xca: {  	[hbm4b:s6+s2] =	stream.indirect_vreg.scatter [tilespmem:s21], [sflag:$0x1], $0x80, v3, vm0, $0xb8;
	[tilespmem:$0x10100] =	vst v63  }
.Ltmp0:
0xcb: {  	_ = 	snop;
	(pc) =	sbr.rel @p0 .LBB2_1-.Ltmp0, $4  }
0xcc: {  	[hbm4b:s7+s2] =	stream.indirect_vreg.scatter [tilespmem:s1], [sflag:$0x1], $0x80, v3, vm0, $0xb8;
	[tilespmem:$0x10100] =	vst v63  }
0xcd: {  	_ =	swait.ge [sflag:s19], $0x10000  }
0xce: {  	[sflag:s19] =	ssyncset.done $0x0  }
0xcf: {  	s8 =	sadd.s32 $0xFFFFFFFF, s8;
	[sflag:s19] =	ssyncadd.s32 $0xFFFF0000  }
0xd0: {  	_ =	sfence.sel $0x180000  }
0xd1: {  	[bflag:$0x0] =	sbarrier.arrive $0xFFFF  }
0xd2: {  	_ =	strace $0x90000047  }
0xd3: {  	s0 =	stileid.u32;
	[bflag:$0x2] =	sbarrier.arrive $0xFFFF  }
0xd4: {  	p0 =	sne.s32 s0, $0x0;
	s0 =	rddreg [dreg:$0x3]  }
0xd5: {  	s0 =	sadd.s32 @!p0 $0x100000, s0  }
0xd6: {  	[sflag:s0] =	ssyncadd.tile.s32 @!p0 $0x1;
	_ =	shalt  }
.Lfunc_end2:
_tile_overlayer_lowered:
.L_overlay_start_2:
0xd7: {  	(tag) =	ssettag $0x2  }
0xd8: {  	s0 =	rddreg [dreg:$0x0];
	s2 =	stileid.u32  }
0xd9: {  	s1 =	rddreg [dreg:$0x1];
	p0 =	sne.s32 s2, $0x0  }
0xda: {  	s3 =	rddreg [dreg:$0x2];
	[bflag:$0x3] =	sbarrier.arrive $0xFFFF;
	s2 =	simm.s32 @!p0 $0x1C02  }
0xdb: {  	[timem:s3], [sflag:s2] =	dma.local @!p0 [hbm:s0], s1  }
0xdc: {  	s0 =	simm.s32 @!p0 $0x2  }
0xdd: {  	_ =	swait.ge @!p0 [sflag:s0], s1  }
0xde: {  	s1 =	ssub.s32 @!p0 $0x0, s1;
	[sflag:s0] =	ssyncset.done @!p0 $0x0  }
0xdf: {  	[sflag:s0] =	ssyncadd.s32 @!p0 s1  }
0xe0: {  	[bflag:$0x3] =	sbarrier.arrive $0xFFFF  }
0xe1: {  	_ =	shalt  }

</sc_bundles>
